<compile_context>
chip_gen: v7x
topology: tpu7x:2x2x1
jax: 0.10.2.dev20260603
libtpu: 0.0.44.dev20260713+nightly
codegen_flags: <defaults>
</compile_context>

<pallas_src>
import functools
import math

import jax
import jax.numpy as jnp
from jax import lax
from jax.experimental import pallas as pl
from jax.experimental.pallas import tpu as pltpu
from jax.experimental.pallas import tpu_sc as plsc

D_MODEL = 64
EMB_SCALE = math.sqrt(D_MODEL)
VOCAB = 1_000_000
NUM_WORKERS = 32
CHUNK = 128
LANES = 16
NBUF = 2
ROWS_PER_ITER = 4

VB = 8192


def _pack_table_body(in_ref, out_ref):
    out_ref[:, :D_MODEL] = in_ref[...].T


def _pack_table(table_t):
    n_vb = (VOCAB + VB - 1) // VB
    return pl.pallas_call(
        _pack_table_body,
        grid=(n_vb,),
        in_specs=[pl.BlockSpec((D_MODEL, VB), lambda i: (0, i))],
        out_specs=pl.BlockSpec((VB, 2 * D_MODEL), lambda i: (i, 0)),
        out_shape=jax.ShapeDtypeStruct((VOCAB, 2 * D_MODEL), jnp.float32),
    )(table_t)


BB = 2048


def _unpack_out_body(in_ref, out_ref):
    out_ref[0] = in_ref[0].T


def _unpack_out(flat3):
    n_pos, n_b, _ = flat3.shape
    return pl.pallas_call(
        _unpack_out_body,
        grid=(n_pos, n_b // BB),
        in_specs=[pl.BlockSpec((1, BB, D_MODEL), lambda j, b: (j, b, 0))],
        out_specs=pl.BlockSpec((1, D_MODEL, BB), lambda j, b: (j, 0, b))
        ,
        out_shape=jax.ShapeDtypeStruct((n_pos, D_MODEL, n_b), jnp.float32),
    )(flat3)


def _emb_body(table_hbm, idx_hbm, out_hbm, idx_v,
              gb0, gb1, ob0, ob1,
              gs0, gs1, os0, os1,
              *, n_chunks, b_per_w):
    gbufs = (gb0, gb1)
    obufs = (ob0, ob1)
    gsems = (gs0, gs1)
    osems = (os0, os1)

    wid = lax.axis_index("s") * 2 + lax.axis_index("c")
    base = wid * b_per_w
    pltpu.sync_copy(idx_hbm.at[wid], idx_v)

    for b in range(NBUF):
        pltpu.make_async_copy(
            table_hbm.at[idx_v.at[b]], gbufs[b], gsems[b]).start()

    def outer(gg, carry):
        for b in range(NBUF):
            g = gg + b
            pltpu.make_async_copy(
                table_hbm.at[idx_v.at[g]], gbufs[b], gsems[b]).wait()

            @pl.when(gg > 0)
            def _drain():
                pltpu.make_async_copy(
                    obufs[b], out_hbm.at[pl.ds(base, CHUNK)], osems[b]).wait()

            def row_body(i, c2):
                for r in range(ROWS_PER_ITER):
                    row = i * ROWS_PER_ITER + r
                    for j in range(D_MODEL // LANES):
                        sl = pl.ds(j * LANES, LANES)
                        obufs[b][row, sl] = gbufs[b][row, sl] * EMB_SCALE
                return c2

            lax.fori_loop(0, CHUNK // ROWS_PER_ITER, row_body, 0)

            pltpu.make_async_copy(
                obufs[b], out_hbm.at[pl.ds(base + g * CHUNK, CHUNK)],
                osems[b]).start()

            @pl.when(gg < n_chunks - NBUF)
            def _prefetch():
                pltpu.make_async_copy(
                    table_hbm.at[idx_v.at[g + NBUF]], gbufs[b],
                    gsems[b]).start()

        return carry

    lax.fori_loop(0, n_chunks // NBUF, lambda t, c: outer(t * NBUF, c), 0)

    for b in range(NBUF):
        pltpu.make_async_copy(
            obufs[b], out_hbm.at[pl.ds(base, CHUNK)], osems[b]).wait()


def kernel(data, embedding_weight):
    n_b, n_pos = data.shape
    batch = data.size
    b_per_w = batch // NUM_WORKERS
    n_chunks = b_per_w // CHUNK

    idx = data.T.reshape(NUM_WORKERS, n_chunks, CHUNK).astype(jnp.int32)

    tab_lin = _pack_table(embedding_weight.T)

    mesh = plsc.VectorSubcoreMesh(core_axis_name="c", subcore_axis_name="s")
    gbuf = lambda: pltpu.VMEM((CHUNK, 2 * D_MODEL), jnp.float32)
    obuf = lambda: pltpu.VMEM((CHUNK, D_MODEL), jnp.float32)
    emb = functools.partial(
        pl.kernel,
        mesh=mesh,
        compiler_params=pltpu.CompilerParams(use_tc_tiling_on_sc=True),
        out_type=jax.ShapeDtypeStruct((batch, D_MODEL), jnp.float32),
        scratch_types=[pltpu.VMEM((n_chunks, CHUNK), jnp.int32)]
        + [gbuf() for _ in range(NBUF)]
        + [obuf() for _ in range(NBUF)]
        + [pltpu.SemaphoreType.DMA for _ in range(2 * NBUF)],
    )(functools.partial(_emb_body, n_chunks=n_chunks, b_per_w=b_per_w))

    flat = emb(tab_lin, idx)

    out_slabs = _unpack_out(flat.reshape(n_pos, n_b, D_MODEL))
    return out_slabs.transpose(2, 0, 1)

# --- scband reference (transcript-rebuilt; emitter-appended) ---
"""Pipeline reference for scband-token-embedding-25460566130749 (READ-ONLY COPY).

The authoritative reference and input builder live on the scoring server;
editing this copy changes nothing except your own understanding.
"""

import jax, jax.numpy as jnp
import numpy as np
import math

D_MODEL = 64
VOCAB_SIZE = 1000000
SCALE = math.sqrt(D_MODEL)

def setup_inputs(seed: int = 0) -> dict:
    key = jax.random.key(seed)
    k_idx, k_tab = jax.random.split(key)
    data = jax.random.randint(k_idx, (4096, 200), 0, VOCAB_SIZE, dtype=jnp.int64 if jax.config.jax_enable_x64 else jnp.int32)
    embedding_weight = jax.random.normal(k_tab, (VOCAB_SIZE, D_MODEL), dtype=jnp.float32)
    return {"data": data, "embedding_weight": embedding_weight}

def reference(data, embedding_weight):
    # TokenEmbedding.forward: scale * embedding(data)
    emb = jnp.take(embedding_weight, data, axis=0)
    return SCALE * emb

if __name__ == "__main__":
    import jax
    _d = setup_inputs()
    print(jax.jit(kernel)(*tuple(_d.values())))

</pallas_src>

<mosaic_0001>
#map = affine_map<(d0, d1) -> (0, 0)>
#map1 = affine_map<(d0, d1) -> (0, 0, 0)>
module attributes {stable_mosaic.version = 14 : i64} {
  func.func @_emb_body(%arg0: i32, %arg1: i32, %arg2: memref<1000000x128xf32, #tpu.memory_space<hbm>>, %arg3: memref<32x200x128xi32, #tpu.memory_space<hbm>>, %arg4: memref<819200x64xf32, #tpu.memory_space<hbm>>, %arg5: memref<200x128xi32, #tpu.memory_space<vmem>>, %arg6: memref<128x128xf32, #tpu.memory_space<vmem>>, %arg7: memref<128x128xf32, #tpu.memory_space<vmem>>, %arg8: memref<128x64xf32, #tpu.memory_space<vmem>>, %arg9: memref<128x64xf32, #tpu.memory_space<vmem>>, %arg10: memref<!tpu.dma_semaphore, #tpu.memory_space<semaphore_mem>>, %arg11: memref<!tpu.dma_semaphore, #tpu.memory_space<semaphore_mem>>, %arg12: memref<!tpu.dma_semaphore, #tpu.memory_space<semaphore_mem>>, %arg13: memref<!tpu.dma_semaphore, #tpu.memory_space<semaphore_mem>>) attributes {dimension_semantics = [#tpu.dimension_semantics<core_parallel>, #tpu.dimension_semantics<subcore_parallel>], iteration_bounds = array<i64: 2, 16>, scalar_prefetch = 0 : i64, scratch_operands = 9 : i64, tpu.core_type = #tpu.core_type<sc_vector_subcore>, window_params = [{transform_indices = #map}, {transform_indices = #map1}, {transform_indices = #map}]} {
    %mul3A = arith.constant 2 : i32
    %mul3A_0 = arith.muli %arg1, %mul3A : i32
    %add3A = arith.addi %mul3A_0, %arg0 : i32
    %mul3A_1 = arith.constant 25600 : i32
    %mul3A_2 = arith.muli %add3A, %mul3A_1 : i32
    "tpu.region"() ({
      %run_scoped3A = tpu.sem_alloc : memref<!tpu.dma_semaphore, #tpu.memory_space<semaphore_mem>>
      %dma_start3A_28 = arith.constant 0 : i32
      %dma_start3A_29 = arith.constant 0 : i32
      %dma_start3A_30 = tpu.memref_slice %arg3[%add3A, %dma_start3A_28, %dma_start3A_29] : memref<32x200x128xi32, #tpu.memory_space<hbm>> -> memref<1x200x128xi32, #tpu.memory_space<hbm>>
      %dma_start3A_31 = tpu.memref_squeeze %dma_start3A_30 : memref<1x200x128xi32, #tpu.memory_space<hbm>> -> memref<200x128xi32, #tpu.memory_space<hbm>>
      %dma_start3A_32 = arith.constant 0 : i32
      %dma_start3A_33 = arith.constant 0 : i32
      %dma_start3A_34 = tpu.memref_slice %arg3[%add3A, %dma_start3A_32, %dma_start3A_33] : memref<32x200x128xi32, #tpu.memory_space<hbm>> -> memref<1x200x128xi32, #tpu.memory_space<hbm>>
      %dma_start3A_35 = tpu.memref_squeeze %dma_start3A_34 : memref<1x200x128xi32, #tpu.memory_space<hbm>> -> memref<200x128xi32, #tpu.memory_space<hbm>>
      tpu.enqueue_dma source(%dma_start3A_35 : memref<200x128xi32, #tpu.memory_space<hbm>>) target(%arg5 : memref<200x128xi32, #tpu.memory_space<vmem>>) target_semaphore(%run_scoped3A : memref<!tpu.dma_semaphore, #tpu.memory_space<semaphore_mem>>)
      %dma_wait3A_36 = arith.constant 0 : i32
      %dma_wait3A_37 = arith.constant 0 : i32
      %dma_wait3A_38 = tpu.memref_slice %arg3[%add3A, %dma_wait3A_36, %dma_wait3A_37] : memref<32x200x128xi32, #tpu.memory_space<hbm>> -> memref<1x200x128xi32, #tpu.memory_space<hbm>>
      %dma_wait3A_39 = tpu.memref_squeeze %dma_wait3A_38 : memref<1x200x128xi32, #tpu.memory_space<hbm>> -> memref<200x128xi32, #tpu.memory_space<hbm>>
      %dma_wait3A_40 = arith.constant 0 : i32
      %dma_wait3A_41 = arith.constant 0 : i32
      %dma_wait3A_42 = tpu.memref_slice %arg3[%add3A, %dma_wait3A_40, %dma_wait3A_41] : memref<32x200x128xi32, #tpu.memory_space<hbm>> -> memref<1x200x128xi32, #tpu.memory_space<hbm>>
      %dma_wait3A_43 = tpu.memref_squeeze %dma_wait3A_42 : memref<1x200x128xi32, #tpu.memory_space<hbm>> -> memref<200x128xi32, #tpu.memory_space<hbm>>
      tpu.wait_dma2 semaphore(%run_scoped3A : memref<!tpu.dma_semaphore, #tpu.memory_space<semaphore_mem>>) src(%dma_wait3A_43 : memref<200x128xi32, #tpu.memory_space<hbm>>) dst(%arg5 : memref<200x128xi32, #tpu.memory_space<vmem>>)
      tpu.yield
    }) : () -> ()
    %dma_start3A = arith.constant 0 : i32
    %dma_start3A_3 = arith.constant 0 : i32
    %dma_start3A_4 = tpu.memref_slice %arg5[%dma_start3A, %dma_start3A_3] : memref<200x128xi32, #tpu.memory_space<vmem>> -> memref<1x128xi32, #tpu.memory_space<vmem>>
    %dma_start3A_5 = tpu.memref_squeeze %dma_start3A_4 : memref<1x128xi32, #tpu.memory_space<vmem>> -> memref<128xi32, #tpu.memory_space<vmem>>
    %dma_start3A_6 = arith.constant 0 : i32
    %dma_start3A_7 = arith.constant 0 : i32
    %dma_start3A_8 = tpu.memref_slice %arg2[%dma_start3A_6, %dma_start3A_7] : memref<1000000x128xf32, #tpu.memory_space<hbm>> -> memref<1000000x128xf32, #tpu.memory_space<hbm>>
    tpu.enqueue_indirect_dma source(%dma_start3A_8 : memref<1000000x128xf32, #tpu.memory_space<hbm>>) target(%arg6 : memref<128x128xf32, #tpu.memory_space<vmem>>) offsets(%dma_start3A_5 : memref<128xi32, #tpu.memory_space<vmem>>) semaphore(%arg10 : memref<!tpu.dma_semaphore, #tpu.memory_space<semaphore_mem>>)
    %dma_start3A_9 = arith.constant 1 : i32
    %dma_start3A_10 = arith.constant 0 : i32
    %dma_start3A_11 = tpu.memref_slice %arg5[%dma_start3A_9, %dma_start3A_10] : memref<200x128xi32, #tpu.memory_space<vmem>> -> memref<1x128xi32, #tpu.memory_space<vmem>>
    %dma_start3A_12 = tpu.memref_squeeze %dma_start3A_11 : memref<1x128xi32, #tpu.memory_space<vmem>> -> memref<128xi32, #tpu.memory_space<vmem>>
    %dma_start3A_13 = arith.constant 0 : i32
    %dma_start3A_14 = arith.constant 0 : i32
    %dma_start3A_15 = tpu.memref_slice %arg2[%dma_start3A_13, %dma_start3A_14] : memref<1000000x128xf32, #tpu.memory_space<hbm>> -> memref<1000000x128xf32, #tpu.memory_space<hbm>>
    tpu.enqueue_indirect_dma source(%dma_start3A_15 : memref<1000000x128xf32, #tpu.memory_space<hbm>>) target(%arg7 : memref<128x128xf32, #tpu.memory_space<vmem>>) offsets(%dma_start3A_12 : memref<128xi32, #tpu.memory_space<vmem>>) semaphore(%arg11 : memref<!tpu.dma_semaphore, #tpu.memory_space<semaphore_mem>>)
    %scan3A = arith.constant 0 : i32
    %scan3A_16 = arith.constant 0 : i32
    %scan3A_17 = arith.constant 100 : i32
    %scan3A_18 = arith.addi %scan3A_16, %scan3A_17 : i32
    %scan3A_19 = arith.constant 1 : i32
    scf.for %scan3A_28 = %scan3A_16 to %scan3A_18 step %scan3A_19  : i32 {
      %mul3A_29 = arith.constant 2 : i32
      %mul3A_30 = arith.muli %scan3A_28, %mul3A_29 : i32
      %add3A_31 = arith.constant 0 : i32
      %add3A_32 = arith.addi %mul3A_30, %add3A_31 : i32
      %dma_wait3A_33 = arith.constant 0 : i32
      %dma_wait3A_34 = tpu.memref_slice %arg5[%add3A_32, %dma_wait3A_33] : memref<200x128xi32, #tpu.memory_space<vmem>> -> memref<1x128xi32, #tpu.memory_space<vmem>>
      %dma_wait3A_35 = tpu.memref_squeeze %dma_wait3A_34 : memref<1x128xi32, #tpu.memory_space<vmem>> -> memref<128xi32, #tpu.memory_space<vmem>>
      %dma_wait3A_36 = arith.constant 0 : i32
      %dma_wait3A_37 = arith.constant 0 : i32
      %dma_wait3A_38 = tpu.memref_slice %arg2[%dma_wait3A_36, %dma_wait3A_37] : memref<1000000x128xf32, #tpu.memory_space<hbm>> -> memref<1000000x128xf32, #tpu.memory_space<hbm>>
      tpu.wait_indirect_dma semaphore(%arg10 : memref<!tpu.dma_semaphore, #tpu.memory_space<semaphore_mem>>) src(%dma_wait3A_38 : memref<1000000x128xf32, #tpu.memory_space<hbm>>) dst(%arg6 : memref<128x128xf32, #tpu.memory_space<vmem>>)
      %gt3A = arith.constant 0 : i32
      %gt3A_39 = arith.cmpi sgt, %mul3A_30, %gt3A : i32
      %convert_element_type3A = arith.extui %gt3A_39 : i1 to i32
      %cond3A = arith.constant 0 : i32
      %cond3A_40 = arith.cmpi ne, %convert_element_type3A, %cond3A : i32
      scf.if %cond3A_40 {
        %dma_wait3A_89 = arith.constant 0 : i32
        %dma_wait3A_90 = tpu.memref_slice %arg4[%mul3A_2, %dma_wait3A_89] : memref<819200x64xf32, #tpu.memory_space<hbm>> -> memref<128x64xf32, #tpu.memory_space<hbm>>
        %dma_wait3A_91 = arith.constant 0 : i32
        %dma_wait3A_92 = tpu.memref_slice %arg4[%mul3A_2, %dma_wait3A_91] : memref<819200x64xf32, #tpu.memory_space<hbm>> -> memref<128x64xf32, #tpu.memory_space<hbm>>
        tpu.wait_dma2 semaphore(%arg12 : memref<!tpu.dma_semaphore, #tpu.memory_space<semaphore_mem>>) src(%arg8 : memref<128x64xf32, #tpu.memory_space<vmem>>) dst(%dma_wait3A_92 : memref<128x64xf32, #tpu.memory_space<hbm>>)
      } else {
      }
      %scan3A_41 = arith.constant 0 : i32
      %scan3A_42 = arith.constant 0 : i32
      %scan3A_43 = arith.constant 32 : i32
      %scan3A_44 = arith.addi %scan3A_42, %scan3A_43 : i32
      %scan3A_45 = arith.constant 1 : i32
      scf.for %scan3A_89 = %scan3A_42 to %scan3A_44 step %scan3A_45  : i32 {
        %mul3A_90 = arith.constant 4 : i32
        %mul3A_91 = arith.muli %scan3A_89, %mul3A_90 : i32
        %add3A_92 = arith.constant 0 : i32
        %add3A_93 = arith.addi %mul3A_91, %add3A_92 : i32
        %get3A = arith.index_cast %add3A_93 : i32 to index
        %get3A_94 = arith.constant 0 : index
        %get3A_95 = tpu.vector_load %arg6[%get3A, %get3A_94] {strides = array<i32>} : memref<128x128xf32, #tpu.memory_space<vmem>>, vector<1x16xf32>,
        %get3A_96 = vector.shape_cast %get3A_95 : vector<1x16xf32> to vector<16xf32>
        %mul3A_97 = arith.constant 8.000000e+00 : f32
        %mul3A_98 = vector.broadcast %mul3A_97 : f32 to vector<16xf32>
        %mul3A_99 = arith.mulf %get3A_96, %mul3A_98 : vector<16xf32>
        %swap3A = arith.index_cast %add3A_93 : i32 to index
        %swap3A_100 = arith.constant 0 : index
        %swap3A_101 = tpu.vector_load %arg8[%swap3A, %swap3A_100] {strides = array<i32>} : memref<128x64xf32, #tpu.memory_space<vmem>>, vector<1x16xf32>,
        %swap3A_102 = vector.shape_cast %swap3A_101 : vector<1x16xf32> to vector<16xf32>
        %swap3A_103 = vector.shape_cast %mul3A_99 : vector<16xf32> to vector<1x16xf32>
        tpu.vector_store %arg8[%swap3A, %swap3A_100], %swap3A_103 {strides = array<i32>} : memref<128x64xf32, #tpu.memory_space<vmem>>, vector<1x16xf32>,
        %get3A_104 = arith.index_cast %add3A_93 : i32 to index
        %get3A_105 = arith.constant 16 : index
        %get3A_106 = tpu.vector_load %arg6[%get3A_104, %get3A_105] {strides = array<i32>} : memref<128x128xf32, #tpu.memory_space<vmem>>, vector<1x16xf32>,
        %get3A_107 = vector.shape_cast %get3A_106 : vector<1x16xf32> to vector<16xf32>
        %mul3A_108 = arith.constant 8.000000e+00 : f32
        %mul3A_109 = vector.broadcast %mul3A_108 : f32 to vector<16xf32>
        %mul3A_110 = arith.mulf %get3A_107, %mul3A_109 : vector<16xf32>
        %swap3A_111 = arith.index_cast %add3A_93 : i32 to index
        %swap3A_112 = arith.constant 16 : index
        %swap3A_113 = tpu.vector_load %arg8[%swap3A_111, %swap3A_112] {strides = array<i32>} : memref<128x64xf32, #tpu.memory_space<vmem>>, vector<1x16xf32>,
        %swap3A_114 = vector.shape_cast %swap3A_113 : vector<1x16xf32> to vector<16xf32>
        %swap3A_115 = vector.shape_cast %mul3A_110 : vector<16xf32> to vector<1x16xf32>
        tpu.vector_store %arg8[%swap3A_111, %swap3A_112], %swap3A_115 {strides = array<i32>} : memref<128x64xf32, #tpu.memory_space<vmem>>, vector<1x16xf32>,
        %get3A_116 = arith.index_cast %add3A_93 : i32 to index
        %get3A_117 = arith.constant 32 : index
        %get3A_118 = tpu.vector_load %arg6[%get3A_116, %get3A_117] {strides = array<i32>} : memref<128x128xf32, #tpu.memory_space<vmem>>, vector<1x16xf32>,
        %get3A_119 = vector.shape_cast %get3A_118 : vector<1x16xf32> to vector<16xf32>
        %mul3A_120 = arith.constant 8.000000e+00 : f32
        %mul3A_121 = vector.broadcast %mul3A_120 : f32 to vector<16xf32>
        %mul3A_122 = arith.mulf %get3A_119, %mul3A_121 : vector<16xf32>
        %swap3A_123 = arith.index_cast %add3A_93 : i32 to index
        %swap3A_124 = arith.constant 32 : index
        %swap3A_125 = tpu.vector_load %arg8[%swap3A_123, %swap3A_124] {strides = array<i32>} : memref<128x64xf32, #tpu.memory_space<vmem>>, vector<1x16xf32>,
        %swap3A_126 = vector.shape_cast %swap3A_125 : vector<1x16xf32> to vector<16xf32>
        %swap3A_127 = vector.shape_cast %mul3A_122 : vector<16xf32> to vector<1x16xf32>
        tpu.vector_store %arg8[%swap3A_123, %swap3A_124], %swap3A_127 {strides = array<i32>} : memref<128x64xf32, #tpu.memory_space<vmem>>, vector<1x16xf32>,
        %get3A_128 = arith.index_cast %add3A_93 : i32 to index
        %get3A_129 = arith.constant 48 : index
        %get3A_130 = tpu.vector_load %arg6[%get3A_128, %get3A_129] {strides = array<i32>} : memref<128x128xf32, #tpu.memory_space<vmem>>, vector<1x16xf32>,
        %get3A_131 = vector.shape_cast %get3A_130 : vector<1x16xf32> to vector<16xf32>
        %mul3A_132 = arith.constant 8.000000e+00 : f32
        %mul3A_133 = vector.broadcast %mul3A_132 : f32 to vector<16xf32>
        %mul3A_134 = arith.mulf %get3A_131, %mul3A_133 : vector<16xf32>
        %swap3A_135 = arith.index_cast %add3A_93 : i32 to index
        %swap3A_136 = arith.constant 48 : index
        %swap3A_137 = tpu.vector_load %arg8[%swap3A_135, %swap3A_136] {strides = array<i32>} : memref<128x64xf32, #tpu.memory_space<vmem>>, vector<1x16xf32>,
        %swap3A_138 = vector.shape_cast %swap3A_137 : vector<1x16xf32> to vector<16xf32>
        %swap3A_139 = vector.shape_cast %mul3A_134 : vector<16xf32> to vector<1x16xf32>
        tpu.vector_store %arg8[%swap3A_135, %swap3A_136], %swap3A_139 {strides = array<i32>} : memref<128x64xf32, #tpu.memory_space<vmem>>, vector<1x16xf32>,
        %mul3A_140 = arith.constant 4 : i32
        %mul3A_141 = arith.muli %scan3A_89, %mul3A_140 : i32
        %add3A_142 = arith.constant 1 : i32
        %add3A_143 = arith.addi %mul3A_141, %add3A_142 : i32
        %get3A_144 = arith.index_cast %add3A_143 : i32 to index
        %get3A_145 = arith.constant 0 : index
        %get3A_146 = tpu.vector_load %arg6[%get3A_144, %get3A_145] {strides = array<i32>} : memref<128x128xf32, #tpu.memory_space<vmem>>, vector<1x16xf32>,
        %get3A_147 = vector.shape_cast %get3A_146 : vector<1x16xf32> to vector<16xf32>
        %mul3A_148 = arith.constant 8.000000e+00 : f32
        %mul3A_149 = vector.broadcast %mul3A_148 : f32 to vector<16xf32>
        %mul3A_150 = arith.mulf %get3A_147, %mul3A_149 : vector<16xf32>
        %swap3A_151 = arith.index_cast %add3A_143 : i32 to index
        %swap3A_152 = arith.constant 0 : index
        %swap3A_153 = tpu.vector_load %arg8[%swap3A_151, %swap3A_152] {strides = array<i32>} : memref<128x64xf32, #tpu.memory_space<vmem>>, vector<1x16xf32>,
        %swap3A_154 = vector.shape_cast %swap3A_153 : vector<1x16xf32> to vector<16xf32>
        %swap3A_155 = vector.shape_cast %mul3A_150 : vector<16xf32> to vector<1x16xf32>
        tpu.vector_store %arg8[%swap3A_151, %swap3A_152], %swap3A_155 {strides = array<i32>} : memref<128x64xf32, #tpu.memory_space<vmem>>, vector<1x16xf32>,
        %get3A_156 = arith.index_cast %add3A_143 : i32 to index
        %get3A_157 = arith.constant 16 : index
        %get3A_158 = tpu.vector_load %arg6[%get3A_156, %get3A_157] {strides = array<i32>} : memref<128x128xf32, #tpu.memory_space<vmem>>, vector<1x16xf32>,
        %get3A_159 = vector.shape_cast %get3A_158 : vector<1x16xf32> to vector<16xf32>
        %mul3A_160 = arith.constant 8.000000e+00 : f32
        %mul3A_161 = vector.broadcast %mul3A_160 : f32 to vector<16xf32>
        %mul3A_162 = arith.mulf %get3A_159, %mul3A_161 : vector<16xf32>
        %swap3A_163 = arith.index_cast %add3A_143 : i32 to index
        %swap3A_164 = arith.constant 16 : index
        %swap3A_165 = tpu.vector_load %arg8[%swap3A_163, %swap3A_164] {strides = array<i32>} : memref<128x64xf32, #tpu.memory_space<vmem>>, vector<1x16xf32>,
        %swap3A_166 = vector.shape_cast %swap3A_165 : vector<1x16xf32> to vector<16xf32>
        %swap3A_167 = vector.shape_cast %mul3A_162 : vector<16xf32> to vector<1x16xf32>
        tpu.vector_store %arg8[%swap3A_163, %swap3A_164], %swap3A_167 {strides = array<i32>} : memref<128x64xf32, #tpu.memory_space<vmem>>, vector<1x16xf32>,
        %get3A_168 = arith.index_cast %add3A_143 : i32 to index
        %get3A_169 = arith.constant 32 : index
        %get3A_170 = tpu.vector_load %arg6[%get3A_168, %get3A_169] {strides = array<i32>} : memref<128x128xf32, #tpu.memory_space<vmem>>, vector<1x16xf32>,
        %get3A_171 = vector.shape_cast %get3A_170 : vector<1x16xf32> to vector<16xf32>
        %mul3A_172 = arith.constant 8.000000e+00 : f32
        %mul3A_173 = vector.broadcast %mul3A_172 : f32 to vector<16xf32>
        %mul3A_174 = arith.mulf %get3A_171, %mul3A_173 : vector<16xf32>
        %swap3A_175 = arith.index_cast %add3A_143 : i32 to index
        %swap3A_176 = arith.constant 32 : index
        %swap3A_177 = tpu.vector_load %arg8[%swap3A_175, %swap3A_176] {strides = array<i32>} : memref<128x64xf32, #tpu.memory_space<vmem>>, vector<1x16xf32>,
        %swap3A_178 = vector.shape_cast %swap3A_177 : vector<1x16xf32> to vector<16xf32>
        %swap3A_179 = vector.shape_cast %mul3A_174 : vector<16xf32> to vector<1x16xf32>
        tpu.vector_store %arg8[%swap3A_175, %swap3A_176], %swap3A_179 {strides = array<i32>} : memref<128x64xf32, #tpu.memory_space<vmem>>, vector<1x16xf32>,
        %get3A_180 = arith.index_cast %add3A_143 : i32 to index
        %get3A_181 = arith.constant 48 : index
        %get3A_182 = tpu.vector_load %arg6[%get3A_180, %get3A_181] {strides = array<i32>} : memref<128x128xf32, #tpu.memory_space<vmem>>, vector<1x16xf32>,
        %get3A_183 = vector.shape_cast %get3A_182 : vector<1x16xf32> to vector<16xf32>
        %mul3A_184 = arith.constant 8.000000e+00 : f32
        %mul3A_185 = vector.broadcast %mul3A_184 : f32 to vector<16xf32>
        %mul3A_186 = arith.mulf %get3A_183, %mul3A_185 : vector<16xf32>
        %swap3A_187 = arith.index_cast %add3A_143 : i32 to index
        %swap3A_188 = arith.constant 48 : index
        %swap3A_189 = tpu.vector_load %arg8[%swap3A_187, %swap3A_188] {strides = array<i32>} : memref<128x64xf32, #tpu.memory_space<vmem>>, vector<1x16xf32>,
        %swap3A_190 = vector.shape_cast %swap3A_189 : vector<1x16xf32> to vector<16xf32>
        %swap3A_191 = vector.shape_cast %mul3A_186 : vector<16xf32> to vector<1x16xf32>
        tpu.vector_store %arg8[%swap3A_187, %swap3A_188], %swap3A_191 {strides = array<i32>} : memref<128x64xf32, #tpu.memory_space<vmem>>, vector<1x16xf32>,
        %mul3A_192 = arith.constant 4 : i32
        %mul3A_193 = arith.muli %scan3A_89, %mul3A_192 : i32
        %add3A_194 = arith.constant 2 : i32
        %add3A_195 = arith.addi %mul3A_193, %add3A_194 : i32
        %get3A_196 = arith.index_cast %add3A_195 : i32 to index
        %get3A_197 = arith.constant 0 : index
        %get3A_198 = tpu.vector_load %arg6[%get3A_196, %get3A_197] {strides = array<i32>} : memref<128x128xf32, #tpu.memory_space<vmem>>, vector<1x16xf32>,
        %get3A_199 = vector.shape_cast %get3A_198 : vector<1x16xf32> to vector<16xf32>
        %mul3A_200 = arith.constant 8.000000e+00 : f32
        %mul3A_201 = vector.broadcast %mul3A_200 : f32 to vector<16xf32>
        %mul3A_202 = arith.mulf %get3A_199, %mul3A_201 : vector<16xf32>
        %swap3A_203 = arith.index_cast %add3A_195 : i32 to index
        %swap3A_204 = arith.constant 0 : index
        %swap3A_205 = tpu.vector_load %arg8[%swap3A_203, %swap3A_204] {strides = array<i32>} : memref<128x64xf32, #tpu.memory_space<vmem>>, vector<1x16xf32>,
        %swap3A_206 = vector.shape_cast %swap3A_205 : vector<1x16xf32> to vector<16xf32>
        %swap3A_207 = vector.shape_cast %mul3A_202 : vector<16xf32> to vector<1x16xf32>
        tpu.vector_store %arg8[%swap3A_203, %swap3A_204], %swap3A_207 {strides = array<i32>} : memref<128x64xf32, #tpu.memory_space<vmem>>, vector<1x16xf32>,
        %get3A_208 = arith.index_cast %add3A_195 : i32 to index
        %get3A_209 = arith.constant 16 : index
        %get3A_210 = tpu.vector_load %arg6[%get3A_208, %get3A_209] {strides = array<i32>} : memref<128x128xf32, #tpu.memory_space<vmem>>, vector<1x16xf32>,
        %get3A_211 = vector.shape_cast %get3A_210 : vector<1x16xf32> to vector<16xf32>
        %mul3A_212 = arith.constant 8.000000e+00 : f32
        %mul3A_213 = vector.broadcast %mul3A_212 : f32 to vector<16xf32>
        %mul3A_214 = arith.mulf %get3A_211, %mul3A_213 : vector<16xf32>
        %swap3A_215 = arith.index_cast %add3A_195 : i32 to index
        %swap3A_216 = arith.constant 16 : index
        %swap3A_217 = tpu.vector_load %arg8[%swap3A_215, %swap3A_216] {strides = array<i32>} : memref<128x64xf32, #tpu.memory_space<vmem>>, vector<1x16xf32>,
        %swap3A_218 = vector.shape_cast %swap3A_217 : vector<1x16xf32> to vector<16xf32>
        %swap3A_219 = vector.shape_cast %mul3A_214 : vector<16xf32> to vector<1x16xf32>
        tpu.vector_store %arg8[%swap3A_215, %swap3A_216], %swap3A_219 {strides = array<i32>} : memref<128x64xf32, #tpu.memory_space<vmem>>, vector<1x16xf32>,
        %get3A_220 = arith.index_cast %add3A_195 : i32 to index
        %get3A_221 = arith.constant 32 : index
        %get3A_222 = tpu.vector_load %arg6[%get3A_220, %get3A_221] {strides = array<i32>} : memref<128x128xf32, #tpu.memory_space<vmem>>, vector<1x16xf32>,
        %get3A_223 = vector.shape_cast %get3A_222 : vector<1x16xf32> to vector<16xf32>
        %mul3A_224 = arith.constant 8.000000e+00 : f32
        %mul3A_225 = vector.broadcast %mul3A_224 : f32 to vector<16xf32>
        %mul3A_226 = arith.mulf %get3A_223, %mul3A_225 : vector<16xf32>
        %swap3A_227 = arith.index_cast %add3A_195 : i32 to index
        %swap3A_228 = arith.constant 32 : index
        %swap3A_229 = tpu.vector_load %arg8[%swap3A_227, %swap3A_228] {strides = array<i32>} : memref<128x64xf32, #tpu.memory_space<vmem>>, vector<1x16xf32>,
        %swap3A_230 = vector.shape_cast %swap3A_229 : vector<1x16xf32> to vector<16xf32>
        %swap3A_231 = vector.shape_cast %mul3A_226 : vector<16xf32> to vector<1x16xf32>
        tpu.vector_store %arg8[%swap3A_227, %swap3A_228], %swap3A_231 {strides = array<i32>} : memref<128x64xf32, #tpu.memory_space<vmem>>, vector<1x16xf32>,
        %get3A_232 = arith.index_cast %add3A_195 : i32 to index
        %get3A_233 = arith.constant 48 : index
        %get3A_234 = tpu.vector_load %arg6[%get3A_232, %get3A_233] {strides = array<i32>} : memref<128x128xf32, #tpu.memory_space<vmem>>, vector<1x16xf32>,
        %get3A_235 = vector.shape_cast %get3A_234 : vector<1x16xf32> to vector<16xf32>
        %mul3A_236 = arith.constant 8.000000e+00 : f32
        %mul3A_237 = vector.broadcast %mul3A_236 : f32 to vector<16xf32>
        %mul3A_238 = arith.mulf %get3A_235, %mul3A_237 : vector<16xf32>
        %swap3A_239 = arith.index_cast %add3A_195 : i32 to index
        %swap3A_240 = arith.constant 48 : index
        %swap3A_241 = tpu.vector_load %arg8[%swap3A_239, %swap3A_240] {strides = array<i32>} : memref<128x64xf32, #tpu.memory_space<vmem>>, vector<1x16xf32>,
        %swap3A_242 = vector.shape_cast %swap3A_241 : vector<1x16xf32> to vector<16xf32>
        %swap3A_243 = vector.shape_cast %mul3A_238 : vector<16xf32> to vector<1x16xf32>
        tpu.vector_store %arg8[%swap3A_239, %swap3A_240], %swap3A_243 {strides = array<i32>} : memref<128x64xf32, #tpu.memory_space<vmem>>, vector<1x16xf32>,
        %mul3A_244 = arith.constant 4 : i32
        %mul3A_245 = arith.muli %scan3A_89, %mul3A_244 : i32
        %add3A_246 = arith.constant 3 : i32
        %add3A_247 = arith.addi %mul3A_245, %add3A_246 : i32
        %get3A_248 = arith.index_cast %add3A_247 : i32 to index
        %get3A_249 = arith.constant 0 : index
        %get3A_250 = tpu.vector_load %arg6[%get3A_248, %get3A_249] {strides = array<i32>} : memref<128x128xf32, #tpu.memory_space<vmem>>, vector<1x16xf32>,
        %get3A_251 = vector.shape_cast %get3A_250 : vector<1x16xf32> to vector<16xf32>
        %mul3A_252 = arith.constant 8.000000e+00 : f32
        %mul3A_253 = vector.broadcast %mul3A_252 : f32 to vector<16xf32>
        %mul3A_254 = arith.mulf %get3A_251, %mul3A_253 : vector<16xf32>
        %swap3A_255 = arith.index_cast %add3A_247 : i32 to index
        %swap3A_256 = arith.constant 0 : index
        %swap3A_257 = tpu.vector_load %arg8[%swap3A_255, %swap3A_256] {strides = array<i32>} : memref<128x64xf32, #tpu.memory_space<vmem>>, vector<1x16xf32>,
        %swap3A_258 = vector.shape_cast %swap3A_257 : vector<1x16xf32> to vector<16xf32>
        %swap3A_259 = vector.shape_cast %mul3A_254 : vector<16xf32> to vector<1x16xf32>
        tpu.vector_store %arg8[%swap3A_255, %swap3A_256], %swap3A_259 {strides = array<i32>} : memref<128x64xf32, #tpu.memory_space<vmem>>, vector<1x16xf32>,
        %get3A_260 = arith.index_cast %add3A_247 : i32 to index
        %get3A_261 = arith.constant 16 : index
        %get3A_262 = tpu.vector_load %arg6[%get3A_260, %get3A_261] {strides = array<i32>} : memref<128x128xf32, #tpu.memory_space<vmem>>, vector<1x16xf32>,
        %get3A_263 = vector.shape_cast %get3A_262 : vector<1x16xf32> to vector<16xf32>
        %mul3A_264 = arith.constant 8.000000e+00 : f32
        %mul3A_265 = vector.broadcast %mul3A_264 : f32 to vector<16xf32>
        %mul3A_266 = arith.mulf %get3A_263, %mul3A_265 : vector<16xf32>
        %swap3A_267 = arith.index_cast %add3A_247 : i32 to index
        %swap3A_268 = arith.constant 16 : index
        %swap3A_269 = tpu.vector_load %arg8[%swap3A_267, %swap3A_268] {strides = array<i32>} : memref<128x64xf32, #tpu.memory_space<vmem>>, vector<1x16xf32>,
        %swap3A_270 = vector.shape_cast %swap3A_269 : vector<1x16xf32> to vector<16xf32>
        %swap3A_271 = vector.shape_cast %mul3A_266 : vector<16xf32> to vector<1x16xf32>
        tpu.vector_store %arg8[%swap3A_267, %swap3A_268], %swap3A_271 {strides = array<i32>} : memref<128x64xf32, #tpu.memory_space<vmem>>, vector<1x16xf32>,
        %get3A_272 = arith.index_cast %add3A_247 : i32 to index
        %get3A_273 = arith.constant 32 : index
        %get3A_274 = tpu.vector_load %arg6[%get3A_272, %get3A_273] {strides = array<i32>} : memref<128x128xf32, #tpu.memory_space<vmem>>, vector<1x16xf32>,
        %get3A_275 = vector.shape_cast %get3A_274 : vector<1x16xf32> to vector<16xf32>
        %mul3A_276 = arith.constant 8.000000e+00 : f32
        %mul3A_277 = vector.broadcast %mul3A_276 : f32 to vector<16xf32>
        %mul3A_278 = arith.mulf %get3A_275, %mul3A_277 : vector<16xf32>
        %swap3A_279 = arith.index_cast %add3A_247 : i32 to index
        %swap3A_280 = arith.constant 32 : index
        %swap3A_281 = tpu.vector_load %arg8[%swap3A_279, %swap3A_280] {strides = array<i32>} : memref<128x64xf32, #tpu.memory_space<vmem>>, vector<1x16xf32>,
        %swap3A_282 = vector.shape_cast %swap3A_281 : vector<1x16xf32> to vector<16xf32>
        %swap3A_283 = vector.shape_cast %mul3A_278 : vector<16xf32> to vector<1x16xf32>
        tpu.vector_store %arg8[%swap3A_279, %swap3A_280], %swap3A_283 {strides = array<i32>} : memref<128x64xf32, #tpu.memory_space<vmem>>, vector<1x16xf32>,
        %get3A_284 = arith.index_cast %add3A_247 : i32 to index
        %get3A_285 = arith.constant 48 : index
        %get3A_286 = tpu.vector_load %arg6[%get3A_284, %get3A_285] {strides = array<i32>} : memref<128x128xf32, #tpu.memory_space<vmem>>, vector<1x16xf32>,
        %get3A_287 = vector.shape_cast %get3A_286 : vector<1x16xf32> to vector<16xf32>
        %mul3A_288 = arith.constant 8.000000e+00 : f32
        %mul3A_289 = vector.broadcast %mul3A_288 : f32 to vector<16xf32>
        %mul3A_290 = arith.mulf %get3A_287, %mul3A_289 : vector<16xf32>
        %swap3A_291 = arith.index_cast %add3A_247 : i32 to index
        %swap3A_292 = arith.constant 48 : index
        %swap3A_293 = tpu.vector_load %arg8[%swap3A_291, %swap3A_292] {strides = array<i32>} : memref<128x64xf32, #tpu.memory_space<vmem>>, vector<1x16xf32>,
        %swap3A_294 = vector.shape_cast %swap3A_293 : vector<1x16xf32> to vector<16xf32>
        %swap3A_295 = vector.shape_cast %mul3A_290 : vector<16xf32> to vector<1x16xf32>
        tpu.vector_store %arg8[%swap3A_291, %swap3A_292], %swap3A_295 {strides = array<i32>} : memref<128x64xf32, #tpu.memory_space<vmem>>, vector<1x16xf32>,
      }
      %scan3A_46 = arith.constant 32 : i32
      %mul3A_47 = arith.constant 128 : i32
      %mul3A_48 = arith.muli %add3A_32, %mul3A_47 : i32
      %add3A_49 = arith.addi %mul3A_2, %mul3A_48 : i32
      %dma_start3A_50 = arith.constant 0 : i32
      %dma_start3A_51 = tpu.memref_slice %arg4[%add3A_49, %dma_start3A_50] : memref<819200x64xf32, #tpu.memory_space<hbm>> -> memref<128x64xf32, #tpu.memory_space<hbm>>
      %dma_start3A_52 = arith.constant 0 : i32
      %dma_start3A_53 = tpu.memref_slice %arg4[%add3A_49, %dma_start3A_52] : memref<819200x64xf32, #tpu.memory_space<hbm>> -> memref<128x64xf32, #tpu.memory_space<hbm>>
      tpu.enqueue_dma source(%arg8 : memref<128x64xf32, #tpu.memory_space<vmem>>) target(%dma_start3A_53 : memref<128x64xf32, #tpu.memory_space<hbm>>) target_semaphore(%arg12 : memref<!tpu.dma_semaphore, #tpu.memory_space<semaphore_mem>>)
      %lt3A = arith.constant 198 : i32
      %lt3A_54 = arith.cmpi slt, %mul3A_30, %lt3A : i32
      %convert_element_type3A_55 = arith.extui %lt3A_54 : i1 to i32
      %cond3A_56 = arith.constant 0 : i32
      %cond3A_57 = arith.cmpi ne, %convert_element_type3A_55, %cond3A_56 : i32
      scf.if %cond3A_57 {
        %add3A_89 = arith.constant 2 : i32
        %add3A_90 = arith.addi %add3A_32, %add3A_89 : i32
        %dma_start3A_91 = arith.constant 0 : i32
        %dma_start3A_92 = tpu.memref_slice %arg5[%add3A_90, %dma_start3A_91] : memref<200x128xi32, #tpu.memory_space<vmem>> -> memref<1x128xi32, #tpu.memory_space<vmem>>
        %dma_start3A_93 = tpu.memref_squeeze %dma_start3A_92 : memref<1x128xi32, #tpu.memory_space<vmem>> -> memref<128xi32, #tpu.memory_space<vmem>>
        %dma_start3A_94 = arith.constant 0 : i32
        %dma_start3A_95 = arith.constant 0 : i32
        %dma_start3A_96 = tpu.memref_slice %arg2[%dma_start3A_94, %dma_start3A_95] : memref<1000000x128xf32, #tpu.memory_space<hbm>> -> memref<1000000x128xf32, #tpu.memory_space<hbm>>
        tpu.enqueue_indirect_dma source(%dma_start3A_96 : memref<1000000x128xf32, #tpu.memory_space<hbm>>) target(%arg6 : memref<128x128xf32, #tpu.memory_space<vmem>>) offsets(%dma_start3A_93 : memref<128xi32, #tpu.memory_space<vmem>>) semaphore(%arg10 : memref<!tpu.dma_semaphore, #tpu.memory_space<semaphore_mem>>)
      } else {
      }
      %add3A_58 = arith.constant 1 : i32
      %add3A_59 = arith.addi %mul3A_30, %add3A_58 : i32
      %dma_wait3A_60 = arith.constant 0 : i32
      %dma_wait3A_61 = tpu.memref_slice %arg5[%add3A_59, %dma_wait3A_60] : memref<200x128xi32, #tpu.memory_space<vmem>> -> memref<1x128xi32, #tpu.memory_space<vmem>>
      %dma_wait3A_62 = tpu.memref_squeeze %dma_wait3A_61 : memref<1x128xi32, #tpu.memory_space<vmem>> -> memref<128xi32, #tpu.memory_space<vmem>>
      %dma_wait3A_63 = arith.constant 0 : i32
      %dma_wait3A_64 = arith.constant 0 : i32
      %dma_wait3A_65 = tpu.memref_slice %arg2[%dma_wait3A_63, %dma_wait3A_64] : memref<1000000x128xf32, #tpu.memory_space<hbm>> -> memref<1000000x128xf32, #tpu.memory_space<hbm>>
      tpu.wait_indirect_dma semaphore(%arg11 : memref<!tpu.dma_semaphore, #tpu.memory_space<semaphore_mem>>) src(%dma_wait3A_65 : memref<1000000x128xf32, #tpu.memory_space<hbm>>) dst(%arg7 : memref<128x128xf32, #tpu.memory_space<vmem>>)
      %gt3A_66 = arith.constant 0 : i32
      %gt3A_67 = arith.cmpi sgt, %mul3A_30, %gt3A_66 : i32
      %convert_element_type3A_68 = arith.extui %gt3A_67 : i1 to i32
      %cond3A_69 = arith.constant 0 : i32
      %cond3A_70 = arith.cmpi ne, %convert_element_type3A_68, %cond3A_69 : i32
      scf.if %cond3A_70 {
        %dma_wait3A_89 = arith.constant 0 : i32
        %dma_wait3A_90 = tpu.memref_slice %arg4[%mul3A_2, %dma_wait3A_89] : memref<819200x64xf32, #tpu.memory_space<hbm>> -> memref<128x64xf32, #tpu.memory_space<hbm>>
        %dma_wait3A_91 = arith.constant 0 : i32
        %dma_wait3A_92 = tpu.memref_slice %arg4[%mul3A_2, %dma_wait3A_91] : memref<819200x64xf32, #tpu.memory_space<hbm>> -> memref<128x64xf32, #tpu.memory_space<hbm>>
        tpu.wait_dma2 semaphore(%arg13 : memref<!tpu.dma_semaphore, #tpu.memory_space<semaphore_mem>>) src(%arg9 : memref<128x64xf32, #tpu.memory_space<vmem>>) dst(%dma_wait3A_92 : memref<128x64xf32, #tpu.memory_space<hbm>>)
      } else {
      }
      %scan3A_71 = arith.constant 0 : i32
      %scan3A_72 = arith.constant 0 : i32
      %scan3A_73 = arith.constant 32 : i32
      %scan3A_74 = arith.addi %scan3A_72, %scan3A_73 : i32
      %scan3A_75 = arith.constant 1 : i32
      scf.for %scan3A_89 = %scan3A_72 to %scan3A_74 step %scan3A_75  : i32 {
        %mul3A_90 = arith.constant 4 : i32
        %mul3A_91 = arith.muli %scan3A_89, %mul3A_90 : i32
        %add3A_92 = arith.constant 0 : i32
        %add3A_93 = arith.addi %mul3A_91, %add3A_92 : i32
        %get3A = arith.index_cast %add3A_93 : i32 to index
        %get3A_94 = arith.constant 0 : index
        %get3A_95 = tpu.vector_load %arg7[%get3A, %get3A_94] {strides = array<i32>} : memref<128x128xf32, #tpu.memory_space<vmem>>, vector<1x16xf32>,
        %get3A_96 = vector.shape_cast %get3A_95 : vector<1x16xf32> to vector<16xf32>
        %mul3A_97 = arith.constant 8.000000e+00 : f32
        %mul3A_98 = vector.broadcast %mul3A_97 : f32 to vector<16xf32>
        %mul3A_99 = arith.mulf %get3A_96, %mul3A_98 : vector<16xf32>
        %swap3A = arith.index_cast %add3A_93 : i32 to index
        %swap3A_100 = arith.constant 0 : index
        %swap3A_101 = tpu.vector_load %arg9[%swap3A, %swap3A_100] {strides = array<i32>} : memref<128x64xf32, #tpu.memory_space<vmem>>, vector<1x16xf32>,
        %swap3A_102 = vector.shape_cast %swap3A_101 : vector<1x16xf32> to vector<16xf32>
        %swap3A_103 = vector.shape_cast %mul3A_99 : vector<16xf32> to vector<1x16xf32>
        tpu.vector_store %arg9[%swap3A, %swap3A_100], %swap3A_103 {strides = array<i32>} : memref<128x64xf32, #tpu.memory_space<vmem>>, vector<1x16xf32>,
        %get3A_104 = arith.index_cast %add3A_93 : i32 to index
        %get3A_105 = arith.constant 16 : index
        %get3A_106 = tpu.vector_load %arg7[%get3A_104, %get3A_105] {strides = array<i32>} : memref<128x128xf32, #tpu.memory_space<vmem>>, vector<1x16xf32>,
        %get3A_107 = vector.shape_cast %get3A_106 : vector<1x16xf32> to vector<16xf32>
        %mul3A_108 = arith.constant 8.000000e+00 : f32
        %mul3A_109 = vector.broadcast %mul3A_108 : f32 to vector<16xf32>
        %mul3A_110 = arith.mulf %get3A_107, %mul3A_109 : vector<16xf32>
        %swap3A_111 = arith.index_cast %add3A_93 : i32 to index
        %swap3A_112 = arith.constant 16 : index
        %swap3A_113 = tpu.vector_load %arg9[%swap3A_111, %swap3A_112] {strides = array<i32>} : memref<128x64xf32, #tpu.memory_space<vmem>>, vector<1x16xf32>,
        %swap3A_114 = vector.shape_cast %swap3A_113 : vector<1x16xf32> to vector<16xf32>
        %swap3A_115 = vector.shape_cast %mul3A_110 : vector<16xf32> to vector<1x16xf32>
        tpu.vector_store %arg9[%swap3A_111, %swap3A_112], %swap3A_115 {strides = array<i32>} : memref<128x64xf32, #tpu.memory_space<vmem>>, vector<1x16xf32>,
        %get3A_116 = arith.index_cast %add3A_93 : i32 to index
        %get3A_117 = arith.constant 32 : index
        %get3A_118 = tpu.vector_load %arg7[%get3A_116, %get3A_117] {strides = array<i32>} : memref<128x128xf32, #tpu.memory_space<vmem>>, vector<1x16xf32>,
        %get3A_119 = vector.shape_cast %get3A_118 : vector<1x16xf32> to vector<16xf32>
        %mul3A_120 = arith.constant 8.000000e+00 : f32
        %mul3A_121 = vector.broadcast %mul3A_120 : f32 to vector<16xf32>
        %mul3A_122 = arith.mulf %get3A_119, %mul3A_121 : vector<16xf32>
        %swap3A_123 = arith.index_cast %add3A_93 : i32 to index
        %swap3A_124 = arith.constant 32 : index
        %swap3A_125 = tpu.vector_load %arg9[%swap3A_123, %swap3A_124] {strides = array<i32>} : memref<128x64xf32, #tpu.memory_space<vmem>>, vector<1x16xf32>,
        %swap3A_126 = vector.shape_cast %swap3A_125 : vector<1x16xf32> to vector<16xf32>
        %swap3A_127 = vector.shape_cast %mul3A_122 : vector<16xf32> to vector<1x16xf32>
        tpu.vector_store %arg9[%swap3A_123, %swap3A_124], %swap3A_127 {strides = array<i32>} : memref<128x64xf32, #tpu.memory_space<vmem>>, vector<1x16xf32>,
        %get3A_128 = arith.index_cast %add3A_93 : i32 to index
        %get3A_129 = arith.constant 48 : index
        %get3A_130 = tpu.vector_load %arg7[%get3A_128, %get3A_129] {strides = array<i32>} : memref<128x128xf32, #tpu.memory_space<vmem>>, vector<1x16xf32>,
        %get3A_131 = vector.shape_cast %get3A_130 : vector<1x16xf32> to vector<16xf32>
        %mul3A_132 = arith.constant 8.000000e+00 : f32
        %mul3A_133 = vector.broadcast %mul3A_132 : f32 to vector<16xf32>
        %mul3A_134 = arith.mulf %get3A_131, %mul3A_133 : vector<16xf32>
        %swap3A_135 = arith.index_cast %add3A_93 : i32 to index
        %swap3A_136 = arith.constant 48 : index
        %swap3A_137 = tpu.vector_load %arg9[%swap3A_135, %swap3A_136] {strides = array<i32>} : memref<128x64xf32, #tpu.memory_space<vmem>>, vector<1x16xf32>,
        %swap3A_138 = vector.shape_cast %swap3A_137 : vector<1x16xf32> to vector<16xf32>
        %swap3A_139 = vector.shape_cast %mul3A_134 : vector<16xf32> to vector<1x16xf32>
        tpu.vector_store %arg9[%swap3A_135, %swap3A_136], %swap3A_139 {strides = array<i32>} : memref<128x64xf32, #tpu.memory_space<vmem>>, vector<1x16xf32>,
        %mul3A_140 = arith.constant 4 : i32
        %mul3A_141 = arith.muli %scan3A_89, %mul3A_140 : i32
        %add3A_142 = arith.constant 1 : i32
        %add3A_143 = arith.addi %mul3A_141, %add3A_142 : i32
        %get3A_144 = arith.index_cast %add3A_143 : i32 to index
        %get3A_145 = arith.constant 0 : index
        %get3A_146 = tpu.vector_load %arg7[%get3A_144, %get3A_145] {strides = array<i32>} : memref<128x128xf32, #tpu.memory_space<vmem>>, vector<1x16xf32>,
        %get3A_147 = vector.shape_cast %get3A_146 : vector<1x16xf32> to vector<16xf32>
        %mul3A_148 = arith.constant 8.000000e+00 : f32
        %mul3A_149 = vector.broadcast %mul3A_148 : f32 to vector<16xf32>
        %mul3A_150 = arith.mulf %get3A_147, %mul3A_149 : vector<16xf32>
        %swap3A_151 = arith.index_cast %add3A_143 : i32 to index
        %swap3A_152 = arith.constant 0 : index
        %swap3A_153 = tpu.vector_load %arg9[%swap3A_151, %swap3A_152] {strides = array<i32>} : memref<128x64xf32, #tpu.memory_space<vmem>>, vector<1x16xf32>,
        %swap3A_154 = vector.shape_cast %swap3A_153 : vector<1x16xf32> to vector<16xf32>
        %swap3A_155 = vector.shape_cast %mul3A_150 : vector<16xf32> to vector<1x16xf32>
        tpu.vector_store %arg9[%swap3A_151, %swap3A_152], %swap3A_155 {strides = array<i32>} : memref<128x64xf32, #tpu.memory_space<vmem>>, vector<1x16xf32>,
        %get3A_156 = arith.index_cast %add3A_143 : i32 to index
        %get3A_157 = arith.constant 16 : index
        %get3A_158 = tpu.vector_load %arg7[%get3A_156, %get3A_157] {strides = array<i32>} : memref<128x128xf32, #tpu.memory_space<vmem>>, vector<1x16xf32>,
        %get3A_159 = vector.shape_cast %get3A_158 : vector<1x16xf32> to vector<16xf32>
        %mul3A_160 = arith.constant 8.000000e+00 : f32
        %mul3A_161 = vector.broadcast %mul3A_160 : f32 to vector<16xf32>
        %mul3A_162 = arith.mulf %get3A_159, %mul3A_161 : vector<16xf32>
        %swap3A_163 = arith.index_cast %add3A_143 : i32 to index
        %swap3A_164 = arith.constant 16 : index
        %swap3A_165 = tpu.vector_load %arg9[%swap3A_163, %swap3A_164] {strides = array<i32>} : memref<128x64xf32, #tpu.memory_space<vmem>>, vector<1x16xf32>,
        %swap3A_166 = vector.shape_cast %swap3A_165 : vector<1x16xf32> to vector<16xf32>
        %swap3A_167 = vector.shape_cast %mul3A_162 : vector<16xf32> to vector<1x16xf32>
        tpu.vector_store %arg9[%swap3A_163, %swap3A_164], %swap3A_167 {strides = array<i32>} : memref<128x64xf32, #tpu.memory_space<vmem>>, vector<1x16xf32>,
        %get3A_168 = arith.index_cast %add3A_143 : i32 to index
        %get3A_169 = arith.constant 32 : index
        %get3A_170 = tpu.vector_load %arg7[%get3A_168, %get3A_169] {strides = array<i32>} : memref<128x128xf32, #tpu.memory_space<vmem>>, vector<1x16xf32>,
        %get3A_171 = vector.shape_cast %get3A_170 : vector<1x16xf32> to vector<16xf32>
        %mul3A_172 = arith.constant 8.000000e+00 : f32
        %mul3A_173 = vector.broadcast %mul3A_172 : f32 to vector<16xf32>
        %mul3A_174 = arith.mulf %get3A_171, %mul3A_173 : vector<16xf32>
        %swap3A_175 = arith.index_cast %add3A_143 : i32 to index
        %swap3A_176 = arith.constant 32 : index
        %swap3A_177 = tpu.vector_load %arg9[%swap3A_175, %swap3A_176] {strides = array<i32>} : memref<128x64xf32, #tpu.memory_space<vmem>>, vector<1x16xf32>,
        %swap3A_178 = vector.shape_cast %swap3A_177 : vector<1x16xf32> to vector<16xf32>
        %swap3A_179 = vector.shape_cast %mul3A_174 : vector<16xf32> to vector<1x16xf32>
        tpu.vector_store %arg9[%swap3A_175, %swap3A_176], %swap3A_179 {strides = array<i32>} : memref<128x64xf32, #tpu.memory_space<vmem>>, vector<1x16xf32>,
        %get3A_180 = arith.index_cast %add3A_143 : i32 to index
        %get3A_181 = arith.constant 48 : index
        %get3A_182 = tpu.vector_load %arg7[%get3A_180, %get3A_181] {strides = array<i32>} : memref<128x128xf32, #tpu.memory_space<vmem>>, vector<1x16xf32>,
        %get3A_183 = vector.shape_cast %get3A_182 : vector<1x16xf32> to vector<16xf32>
        %mul3A_184 = arith.constant 8.000000e+00 : f32
        %mul3A_185 = vector.broadcast %mul3A_184 : f32 to vector<16xf32>
        %mul3A_186 = arith.mulf %get3A_183, %mul3A_185 : vector<16xf32>
        %swap3A_187 = arith.index_cast %add3A_143 : i32 to index
        %swap3A_188 = arith.constant 48 : index
        %swap3A_189 = tpu.vector_load %arg9[%swap3A_187, %swap3A_188] {strides = array<i32>} : memref<128x64xf32, #tpu.memory_space<vmem>>, vector<1x16xf32>,
        %swap3A_190 = vector.shape_cast %swap3A_189 : vector<1x16xf32> to vector<16xf32>
        %swap3A_191 = vector.shape_cast %mul3A_186 : vector<16xf32> to vector<1x16xf32>
        tpu.vector_store %arg9[%swap3A_187, %swap3A_188], %swap3A_191 {strides = array<i32>} : memref<128x64xf32, #tpu.memory_space<vmem>>, vector<1x16xf32>,
        %mul3A_192 = arith.constant 4 : i32
        %mul3A_193 = arith.muli %scan3A_89, %mul3A_192 : i32
        %add3A_194 = arith.constant 2 : i32
        %add3A_195 = arith.addi %mul3A_193, %add3A_194 : i32
        %get3A_196 = arith.index_cast %add3A_195 : i32 to index
        %get3A_197 = arith.constant 0 : index
        %get3A_198 = tpu.vector_load %arg7[%get3A_196, %get3A_197] {strides = array<i32>} : memref<128x128xf32, #tpu.memory_space<vmem>>, vector<1x16xf32>,
        %get3A_199 = vector.shape_cast %get3A_198 : vector<1x16xf32> to vector<16xf32>
        %mul3A_200 = arith.constant 8.000000e+00 : f32
        %mul3A_201 = vector.broadcast %mul3A_200 : f32 to vector<16xf32>
        %mul3A_202 = arith.mulf %get3A_199, %mul3A_201 : vector<16xf32>
        %swap3A_203 = arith.index_cast %add3A_195 : i32 to index
        %swap3A_204 = arith.constant 0 : index
        %swap3A_205 = tpu.vector_load %arg9[%swap3A_203, %swap3A_204] {strides = array<i32>} : memref<128x64xf32, #tpu.memory_space<vmem>>, vector<1x16xf32>,
        %swap3A_206 = vector.shape_cast %swap3A_205 : vector<1x16xf32> to vector<16xf32>
        %swap3A_207 = vector.shape_cast %mul3A_202 : vector<16xf32> to vector<1x16xf32>
        tpu.vector_store %arg9[%swap3A_203, %swap3A_204], %swap3A_207 {strides = array<i32>} : memref<128x64xf32, #tpu.memory_space<vmem>>, vector<1x16xf32>,
        %get3A_208 = arith.index_cast %add3A_195 : i32 to index
        %get3A_209 = arith.constant 16 : index
        %get3A_210 = tpu.vector_load %arg7[%get3A_208, %get3A_209] {strides = array<i32>} : memref<128x128xf32, #tpu.memory_space<vmem>>, vector<1x16xf32>,
        %get3A_211 = vector.shape_cast %get3A_210 : vector<1x16xf32> to vector<16xf32>
        %mul3A_212 = arith.constant 8.000000e+00 : f32
        %mul3A_213 = vector.broadcast %mul3A_212 : f32 to vector<16xf32>
        %mul3A_214 = arith.mulf %get3A_211, %mul3A_213 : vector<16xf32>
        %swap3A_215 = arith.index_cast %add3A_195 : i32 to index
        %swap3A_216 = arith.constant 16 : index
        %swap3A_217 = tpu.vector_load %arg9[%swap3A_215, %swap3A_216] {strides = array<i32>} : memref<128x64xf32, #tpu.memory_space<vmem>>, vector<1x16xf32>,
        %swap3A_218 = vector.shape_cast %swap3A_217 : vector<1x16xf32> to vector<16xf32>
        %swap3A_219 = vector.shape_cast %mul3A_214 : vector<16xf32> to vector<1x16xf32>
        tpu.vector_store %arg9[%swap3A_215, %swap3A_216], %swap3A_219 {strides = array<i32>} : memref<128x64xf32, #tpu.memory_space<vmem>>, vector<1x16xf32>,
        %get3A_220 = arith.index_cast %add3A_195 : i32 to index
        %get3A_221 = arith.constant 32 : index
        %get3A_222 = tpu.vector_load %arg7[%get3A_220, %get3A_221] {strides = array<i32>} : memref<128x128xf32, #tpu.memory_space<vmem>>, vector<1x16xf32>,
        %get3A_223 = vector.shape_cast %get3A_222 : vector<1x16xf32> to vector<16xf32>
        %mul3A_224 = arith.constant 8.000000e+00 : f32
        %mul3A_225 = vector.broadcast %mul3A_224 : f32 to vector<16xf32>
        %mul3A_226 = arith.mulf %get3A_223, %mul3A_225 : vector<16xf32>
        %swap3A_227 = arith.index_cast %add3A_195 : i32 to index
        %swap3A_228 = arith.constant 32 : index
        %swap3A_229 = tpu.vector_load %arg9[%swap3A_227, %swap3A_228] {strides = array<i32>} : memref<128x64xf32, #tpu.memory_space<vmem>>, vector<1x16xf32>,
        %swap3A_230 = vector.shape_cast %swap3A_229 : vector<1x16xf32> to vector<16xf32>
        %swap3A_231 = vector.shape_cast %mul3A_226 : vector<16xf32> to vector<1x16xf32>
        tpu.vector_store %arg9[%swap3A_227, %swap3A_228], %swap3A_231 {strides = array<i32>} : memref<128x64xf32, #tpu.memory_space<vmem>>, vector<1x16xf32>,
        %get3A_232 = arith.index_cast %add3A_195 : i32 to index
        %get3A_233 = arith.constant 48 : index
        %get3A_234 = tpu.vector_load %arg7[%get3A_232, %get3A_233] {strides = array<i32>} : memref<128x128xf32, #tpu.memory_space<vmem>>, vector<1x16xf32>,
        %get3A_235 = vector.shape_cast %get3A_234 : vector<1x16xf32> to vector<16xf32>
        %mul3A_236 = arith.constant 8.000000e+00 : f32
        %mul3A_237 = vector.broadcast %mul3A_236 : f32 to vector<16xf32>
        %mul3A_238 = arith.mulf %get3A_235, %mul3A_237 : vector<16xf32>
        %swap3A_239 = arith.index_cast %add3A_195 : i32 to index
        %swap3A_240 = arith.constant 48 : index
        %swap3A_241 = tpu.vector_load %arg9[%swap3A_239, %swap3A_240] {strides = array<i32>} : memref<128x64xf32, #tpu.memory_space<vmem>>, vector<1x16xf32>,
        %swap3A_242 = vector.shape_cast %swap3A_241 : vector<1x16xf32> to vector<16xf32>
        %swap3A_243 = vector.shape_cast %mul3A_238 : vector<16xf32> to vector<1x16xf32>
        tpu.vector_store %arg9[%swap3A_239, %swap3A_240], %swap3A_243 {strides = array<i32>} : memref<128x64xf32, #tpu.memory_space<vmem>>, vector<1x16xf32>,
        %mul3A_244 = arith.constant 4 : i32
        %mul3A_245 = arith.muli %scan3A_89, %mul3A_244 : i32
        %add3A_246 = arith.constant 3 : i32
        %add3A_247 = arith.addi %mul3A_245, %add3A_246 : i32
        %get3A_248 = arith.index_cast %add3A_247 : i32 to index
        %get3A_249 = arith.constant 0 : index
        %get3A_250 = tpu.vector_load %arg7[%get3A_248, %get3A_249] {strides = array<i32>} : memref<128x128xf32, #tpu.memory_space<vmem>>, vector<1x16xf32>,
        %get3A_251 = vector.shape_cast %get3A_250 : vector<1x16xf32> to vector<16xf32>
        %mul3A_252 = arith.constant 8.000000e+00 : f32
        %mul3A_253 = vector.broadcast %mul3A_252 : f32 to vector<16xf32>
        %mul3A_254 = arith.mulf %get3A_251, %mul3A_253 : vector<16xf32>
        %swap3A_255 = arith.index_cast %add3A_247 : i32 to index
        %swap3A_256 = arith.constant 0 : index
        %swap3A_257 = tpu.vector_load %arg9[%swap3A_255, %swap3A_256] {strides = array<i32>} : memref<128x64xf32, #tpu.memory_space<vmem>>, vector<1x16xf32>,
        %swap3A_258 = vector.shape_cast %swap3A_257 : vector<1x16xf32> to vector<16xf32>
        %swap3A_259 = vector.shape_cast %mul3A_254 : vector<16xf32> to vector<1x16xf32>
        tpu.vector_store %arg9[%swap3A_255, %swap3A_256], %swap3A_259 {strides = array<i32>} : memref<128x64xf32, #tpu.memory_space<vmem>>, vector<1x16xf32>,
        %get3A_260 = arith.index_cast %add3A_247 : i32 to index
        %get3A_261 = arith.constant 16 : index
        %get3A_262 = tpu.vector_load %arg7[%get3A_260, %get3A_261] {strides = array<i32>} : memref<128x128xf32, #tpu.memory_space<vmem>>, vector<1x16xf32>,
        %get3A_263 = vector.shape_cast %get3A_262 : vector<1x16xf32> to vector<16xf32>
        %mul3A_264 = arith.constant 8.000000e+00 : f32
        %mul3A_265 = vector.broadcast %mul3A_264 : f32 to vector<16xf32>
        %mul3A_266 = arith.mulf %get3A_263, %mul3A_265 : vector<16xf32>
        %swap3A_267 = arith.index_cast %add3A_247 : i32 to index
        %swap3A_268 = arith.constant 16 : index
        %swap3A_269 = tpu.vector_load %arg9[%swap3A_267, %swap3A_268] {strides = array<i32>} : memref<128x64xf32, #tpu.memory_space<vmem>>, vector<1x16xf32>,
        %swap3A_270 = vector.shape_cast %swap3A_269 : vector<1x16xf32> to vector<16xf32>
        %swap3A_271 = vector.shape_cast %mul3A_266 : vector<16xf32> to vector<1x16xf32>
        tpu.vector_store %arg9[%swap3A_267, %swap3A_268], %swap3A_271 {strides = array<i32>} : memref<128x64xf32, #tpu.memory_space<vmem>>, vector<1x16xf32>,
        %get3A_272 = arith.index_cast %add3A_247 : i32 to index
        %get3A_273 = arith.constant 32 : index
        %get3A_274 = tpu.vector_load %arg7[%get3A_272, %get3A_273] {strides = array<i32>} : memref<128x128xf32, #tpu.memory_space<vmem>>, vector<1x16xf32>,
        %get3A_275 = vector.shape_cast %get3A_274 : vector<1x16xf32> to vector<16xf32>
        %mul3A_276 = arith.constant 8.000000e+00 : f32
        %mul3A_277 = vector.broadcast %mul3A_276 : f32 to vector<16xf32>
        %mul3A_278 = arith.mulf %get3A_275, %mul3A_277 : vector<16xf32>
        %swap3A_279 = arith.index_cast %add3A_247 : i32 to index
        %swap3A_280 = arith.constant 32 : index
        %swap3A_281 = tpu.vector_load %arg9[%swap3A_279, %swap3A_280] {strides = array<i32>} : memref<128x64xf32, #tpu.memory_space<vmem>>, vector<1x16xf32>,
        %swap3A_282 = vector.shape_cast %swap3A_281 : vector<1x16xf32> to vector<16xf32>
        %swap3A_283 = vector.shape_cast %mul3A_278 : vector<16xf32> to vector<1x16xf32>
        tpu.vector_store %arg9[%swap3A_279, %swap3A_280], %swap3A_283 {strides = array<i32>} : memref<128x64xf32, #tpu.memory_space<vmem>>, vector<1x16xf32>,
        %get3A_284 = arith.index_cast %add3A_247 : i32 to index
        %get3A_285 = arith.constant 48 : index
        %get3A_286 = tpu.vector_load %arg7[%get3A_284, %get3A_285] {strides = array<i32>} : memref<128x128xf32, #tpu.memory_space<vmem>>, vector<1x16xf32>,
        %get3A_287 = vector.shape_cast %get3A_286 : vector<1x16xf32> to vector<16xf32>
        %mul3A_288 = arith.constant 8.000000e+00 : f32
        %mul3A_289 = vector.broadcast %mul3A_288 : f32 to vector<16xf32>
        %mul3A_290 = arith.mulf %get3A_287, %mul3A_289 : vector<16xf32>
        %swap3A_291 = arith.index_cast %add3A_247 : i32 to index
        %swap3A_292 = arith.constant 48 : index
        %swap3A_293 = tpu.vector_load %arg9[%swap3A_291, %swap3A_292] {strides = array<i32>} : memref<128x64xf32, #tpu.memory_space<vmem>>, vector<1x16xf32>,
        %swap3A_294 = vector.shape_cast %swap3A_293 : vector<1x16xf32> to vector<16xf32>
        %swap3A_295 = vector.shape_cast %mul3A_290 : vector<16xf32> to vector<1x16xf32>
        tpu.vector_store %arg9[%swap3A_291, %swap3A_292], %swap3A_295 {strides = array<i32>} : memref<128x64xf32, #tpu.memory_space<vmem>>, vector<1x16xf32>,
      }
      %scan3A_76 = arith.constant 32 : i32
      %mul3A_77 = arith.constant 128 : i32
      %mul3A_78 = arith.muli %add3A_59, %mul3A_77 : i32
      %add3A_79 = arith.addi %mul3A_2, %mul3A_78 : i32
      %dma_start3A_80 = arith.constant 0 : i32
      %dma_start3A_81 = tpu.memref_slice %arg4[%add3A_79, %dma_start3A_80] : memref<819200x64xf32, #tpu.memory_space<hbm>> -> memref<128x64xf32, #tpu.memory_space<hbm>>
      %dma_start3A_82 = arith.constant 0 : i32
      %dma_start3A_83 = tpu.memref_slice %arg4[%add3A_79, %dma_start3A_82] : memref<819200x64xf32, #tpu.memory_space<hbm>> -> memref<128x64xf32, #tpu.memory_space<hbm>>
      tpu.enqueue_dma source(%arg9 : memref<128x64xf32, #tpu.memory_space<vmem>>) target(%dma_start3A_83 : memref<128x64xf32, #tpu.memory_space<hbm>>) target_semaphore(%arg13 : memref<!tpu.dma_semaphore, #tpu.memory_space<semaphore_mem>>)
      %lt3A_84 = arith.constant 198 : i32
      %lt3A_85 = arith.cmpi slt, %mul3A_30, %lt3A_84 : i32
      %convert_element_type3A_86 = arith.extui %lt3A_85 : i1 to i32
      %cond3A_87 = arith.constant 0 : i32
      %cond3A_88 = arith.cmpi ne, %convert_element_type3A_86, %cond3A_87 : i32
      scf.if %cond3A_88 {
        %add3A_89 = arith.constant 2 : i32
        %add3A_90 = arith.addi %add3A_59, %add3A_89 : i32
        %dma_start3A_91 = arith.constant 0 : i32
        %dma_start3A_92 = tpu.memref_slice %arg5[%add3A_90, %dma_start3A_91] : memref<200x128xi32, #tpu.memory_space<vmem>> -> memref<1x128xi32, #tpu.memory_space<vmem>>
        %dma_start3A_93 = tpu.memref_squeeze %dma_start3A_92 : memref<1x128xi32, #tpu.memory_space<vmem>> -> memref<128xi32, #tpu.memory_space<vmem>>
        %dma_start3A_94 = arith.constant 0 : i32
        %dma_start3A_95 = arith.constant 0 : i32
        %dma_start3A_96 = tpu.memref_slice %arg2[%dma_start3A_94, %dma_start3A_95] : memref<1000000x128xf32, #tpu.memory_space<hbm>> -> memref<1000000x128xf32, #tpu.memory_space<hbm>>
        tpu.enqueue_indirect_dma source(%dma_start3A_96 : memref<1000000x128xf32, #tpu.memory_space<hbm>>) target(%arg7 : memref<128x128xf32, #tpu.memory_space<vmem>>) offsets(%dma_start3A_93 : memref<128xi32, #tpu.memory_space<vmem>>) semaphore(%arg11 : memref<!tpu.dma_semaphore, #tpu.memory_space<semaphore_mem>>)
      } else {
      }
    }
    %scan3A_20 = arith.constant 100 : i32
    %dma_wait3A = arith.constant 0 : i32
    %dma_wait3A_21 = tpu.memref_slice %arg4[%mul3A_2, %dma_wait3A] : memref<819200x64xf32, #tpu.memory_space<hbm>> -> memref<128x64xf32, #tpu.memory_space<hbm>>
    %dma_wait3A_22 = arith.constant 0 : i32
    %dma_wait3A_23 = tpu.memref_slice %arg4[%mul3A_2, %dma_wait3A_22] : memref<819200x64xf32, #tpu.memory_space<hbm>> -> memref<128x64xf32, #tpu.memory_space<hbm>>
    tpu.wait_dma2 semaphore(%arg12 : memref<!tpu.dma_semaphore, #tpu.memory_space<semaphore_mem>>) src(%arg8 : memref<128x64xf32, #tpu.memory_space<vmem>>) dst(%dma_wait3A_23 : memref<128x64xf32, #tpu.memory_space<hbm>>)
    %dma_wait3A_24 = arith.constant 0 : i32
    %dma_wait3A_25 = tpu.memref_slice %arg4[%mul3A_2, %dma_wait3A_24] : memref<819200x64xf32, #tpu.memory_space<hbm>> -> memref<128x64xf32, #tpu.memory_space<hbm>>
    %dma_wait3A_26 = arith.constant 0 : i32
    %dma_wait3A_27 = tpu.memref_slice %arg4[%mul3A_2, %dma_wait3A_26] : memref<819200x64xf32, #tpu.memory_space<hbm>> -> memref<128x64xf32, #tpu.memory_space<hbm>>
    tpu.wait_dma2 semaphore(%arg13 : memref<!tpu.dma_semaphore, #tpu.memory_space<semaphore_mem>>) src(%arg9 : memref<128x64xf32, #tpu.memory_space<vmem>>) dst(%dma_wait3A_27 : memref<128x64xf32, #tpu.memory_space<hbm>>)
    return
  }
}

module attributes {stable_mosaic.version = 14 : i64} {
  func.func @_pack_table_body(%arg0: i32, %arg1: memref<64x8192xf32, #tpu.memory_space<vmem>>, %arg2: memref<8192x128xf32, #tpu.memory_space<vmem>>) attributes {dimension_semantics = [#tpu.dimension_semantics<arbitrary>], iteration_bounds = array<i64: 123>, scalar_prefetch = 0 : i64, scratch_operands = 0 : i64, tpu.core_type = #tpu.core_type<tc>, window_params = [{transform_indices = @transform_0, window_bounds = array<i64: 64, 8192>}, {transform_indices = @transform_1, window_bounds = array<i64: 8192, 128>}]} {
    %get3A = arith.constant 0 : index
    %get3A_0 = arith.constant 0 : index
    %get3A_1 = vector.load %arg1[%get3A, %get3A_0] : memref<64x8192xf32, #tpu.memory_space<vmem>>, vector<64x8192xf32>
    %transpose3A = tpu.transpose %get3A_1, [1, 0] : vector<64x8192xf32> -> vector<8192x64xf32>
    %swap3A = arith.constant 0 : index
    %swap3A_2 = arith.constant 0 : index
    %swap3A_3 = vector.load %arg2[%swap3A, %swap3A_2] : memref<8192x128xf32, #tpu.memory_space<vmem>>, vector<8192x64xf32>
    tpu.vector_store %arg2[%swap3A, %swap3A_2], %transpose3A {strides = array<i32>} : memref<8192x128xf32, #tpu.memory_space<vmem>>, vector<8192x64xf32>,
    return
  }
  func.func @transform_0(%arg0: i32) -> (i32, i32) {
    %c0_i32 = arith.constant 0 : i32
    %c0_i32_0 = arith.constant 0 : i32
    return %c0_i32, %arg0 : i32, i32
  }
  func.func @transform_1(%arg0: i32) -> (i32, i32) {
    %c0_i32 = arith.constant 0 : i32
    %c0_i32_0 = arith.constant 0 : i32
    return %arg0, %c0_i32 : i32, i32
  }
}

module attributes {stable_mosaic.version = 14 : i64} {
  func.func @_unpack_out_body(%arg0: i32, %arg1: i32, %arg2: memref<1x2048x64xf32, #tpu.memory_space<vmem>>, %arg3: memref<1x64x2048xf32, #tpu.memory_space<vmem>>) attributes {dimension_semantics = [#tpu.dimension_semantics<arbitrary>, #tpu.dimension_semantics<arbitrary>], iteration_bounds = array<i64: 200, 2>, scalar_prefetch = 0 : i64, scratch_operands = 0 : i64, tpu.core_type = #tpu.core_type<tc>, window_params = [{transform_indices = @transform_0, window_bounds = array<i64: 1, 2048, 64>}, {transform_indices = @transform_1, window_bounds = array<i64: 1, 64, 2048>}]} {
    %get3A = arith.constant 0 : index
    %get3A_0 = arith.constant 0 : index
    %get3A_1 = arith.constant 0 : index
    %get3A_2 = vector.load %arg2[%get3A, %get3A_0, %get3A_1] : memref<1x2048x64xf32, #tpu.memory_space<vmem>>, vector<1x2048x64xf32>
    %get3A_3 = vector.shape_cast %get3A_2 : vector<1x2048x64xf32> to vector<2048x64xf32>
    %transpose3A = tpu.transpose %get3A_3, [1, 0] : vector<2048x64xf32> -> vector<64x2048xf32>
    %swap3A = arith.constant 0 : index
    %swap3A_4 = arith.constant 0 : index
    %swap3A_5 = arith.constant 0 : index
    %swap3A_6 = vector.load %arg3[%swap3A, %swap3A_4, %swap3A_5] : memref<1x64x2048xf32, #tpu.memory_space<vmem>>, vector<1x64x2048xf32>
    %swap3A_7 = vector.shape_cast %swap3A_6 : vector<1x64x2048xf32> to vector<64x2048xf32>
    %swap3A_8 = vector.shape_cast %transpose3A : vector<64x2048xf32> to vector<1x64x2048xf32>
    tpu.vector_store %arg3[%swap3A, %swap3A_4, %swap3A_5], %swap3A_8 {strides = array<i32>} : memref<1x64x2048xf32, #tpu.memory_space<vmem>>, vector<1x64x2048xf32>,
    return
  }
  func.func @transform_0(%arg0: i32, %arg1: i32) -> (i32, i32, i32) {
    %c0_i32 = arith.constant 0 : i32
    %c0_i32_0 = arith.constant 0 : i32
    return %arg0, %arg1, %c0_i32 : i32, i32, i32
  }
  func.func @transform_1(%arg0: i32, %arg1: i32) -> (i32, i32, i32) {
    %c0_i32 = arith.constant 0 : i32
    %c0_i32_0 = arith.constant 0 : i32
    return %arg0, %c0_i32, %arg1 : i32, i32, i32
  }
}

</mosaic_0001>

<sc_bundles>
// kernel: kernel.5.cloned.1.call-start
scs
__scs_entry_jumppad:
0x0: {  	(pc) =	sbr.rel $0x88, $3  }
0x1: {  	(tag) =	ssettag $0x0;
	lr =	simm.s32 $0x1  }
0x2: {  	[smem:$0x3F9F] =	sst lr;
	_ =	strace $0xD0000000  }
0x3: {  	_ = 	snop  }
0x4: {  	_ = 	snop  }
0x5: {  	_ = 	snop  }
0x6: {  	_ = 	snop  }
0x7: {  	_ = 	snop  }
__scs_overlays_trampoline_lowered:
0x8: {  	[smem:$0x3FAE] =	sst s0  }
0x9: {  	[smem:$0x3FAF] =	sst s1  }
0xa: {  	[smem:$0x3FB0] =	sst s2  }
0xb: {  	[smem:$0x3FB1] =	sst s3  }
0xc: {  	[smem:$0x3FB2] =	sst s4  }
0xd: {  	[smem:$0x3FB3] =	sst s5  }
0xe: {  	[smem:$0x3FB4] =	sst s6  }
0xf: {  	[smem:$0x3FB5] =	sst s7  }
0x10: {  	[smem:$0x3FB6] =	sst s8  }
0x11: {  	[smem:$0x3FB7] =	sst s9;
	s0 =	simm.s32 @!p0 $0x0  }
0x12: {  	s1 =	sld [smem:$0x3F9D];
	s0 =	simm.s32 @p0 $0x1  }
0x13: {  	[smem:$0x3FB8] =	sst s0;
	s0 =	simm.s32 @!p1 $0x0  }
0x14: {  	s2 =	sld [smem:$0x3F9C];
	s0 =	simm.s32 @p1 $0x1  }
0x15: {  	[smem:$0x3FB9] =	sst s0;
	s0 =	simm.s32 @!p2 $0x0  }
0x16: {  	s3 =	sld [smem:$0x3FDB];
	s0 =	simm.s32 @p2 $0x1  }
0x17: {  	s4 =	simm.s32 $0x1BF5;
	[smem:$0x3FBB] =	sst s0  }
0x18: {  	s0 =	sld [smem:$0x3F9E];
	_ =	swait.ge [sflag:s4], $0x0  }
0x19: {  	s7 =	sld [smem:$0x3F9F]  }
0x1a: {  	s8 =	sadd.s32 $0xFFFFE003, lr  }
0x1b: {  	s9 =	sadd.s32 $0xFFFFFEF7, lr;
	s5 =	simm.s32 $0xFFFFFFFF;
	p2 =	slt.u32 s8, $0xFFFFF086  }
0x1c: {  	p1 =	slt.u32 s9, $0xF7A;
	s5 =	simm.s32 @!p2 $0x0  }
0x1d: {  	s5 =	simm.s32 @p1 $0x1;
	p0 =	seq.s32 s7, s2  }
0x1e: {  	s7 =	smul.u32 @!p0 $0xF7A, s2;
	p2 =	seq.s32 @!p0 s5, $0x0  }
0x1f: {  	s9 =	smul.u32 $0xF7A, s1;
	s8 =	simm.s32 @!p0 $0x1BF5;
	p2 =	por !p2, p0  }
0x20: {  	[sflag:s8] =	ssyncset.s32 @!p0 $0xFFFFF086;
	s6 =	sadd.s32 @!p0 s3, s7;
	s7 =	simm.s32 @!p0 $0x108  }
0x21: {  	s3 =	sadd.s32 s3, s9;
	s6 =	sadd.s32 @!p0 $0x88, s6;
	s7 =	simm.s32 @p2 $0x1082  }
0x22: {  	[simem:s7], [sflag:s8] =	dma.local @!p0 [hbm:s6], $0xF7A  }
0x23: {  	s9 =	sor.u32 $0xD0000000, s2;
	s6 =	simm.s32 $0x108;
	_ =	swait.ge @!p0 [sflag:s8], $0x0  }
0x24: {  	s3 =	sadd.s32 $0x88, s3;
	s6 =	simm.s32 @!p1 $0x1082;
	[sflag:s4] =	ssyncset.s32 $0xFFFFF086  }
0x25: {  	[simem:s6], [sflag:s4] =	dma.local [hbm:s3], $0xF7A  }
0x26: {  	[smem:$0x3F9F] =	sst s1;
	(tag) =	ssettag s2;
	_ =	strace s9  }
0x27: {  	s1 =	sld [smem:$0x3FAF]  }
0x28: {  	s2 =	sld [smem:$0x3FB0]  }
0x29: {  	s4 =	sld [smem:$0x3FB2]  }
0x2a: {  	p0 =	seq.s32 s5, $0x0;
	s5 =	sld [smem:$0x3FB3]  }
0x2b: {  	s6 =	sld [smem:$0x3FB4]  }
0x2c: {  	s7 =	sld [smem:$0x3FB5]  }
0x2d: {  	s3 =	simm.s32 $0x108;
	s8 =	sld [smem:$0x3FB6]  }
0x2e: {  	s3 =	simm.s32 @!p0 $0x1082;
	s9 =	sld [smem:$0x3FB7]  }
0x2f: {  	lr =	sadd.s32 s0, s3;
	s0 =	sld [smem:$0x3FAE]  }
0x30: {  	s3 =	sld [smem:$0x3FB1]  }
0x31: {  	[smem:$0x3FBA] =	sst s10  }
0x32: {  	s10 =	sld [smem:$0x3FB8];
	_ =	sdelay $0x3  }
0x33: {  	p0 =	seq.s32 s10, $0x1;
	s10 =	sld [smem:$0x3FBA];
	_ =	sdelay $0x3  }
0x34: {  	[smem:$0x3FBA] =	sst s10  }
0x35: {  	s10 =	sld [smem:$0x3FB9];
	_ =	sdelay $0x3  }
0x36: {  	p1 =	seq.s32 s10, $0x1;
	s10 =	sld [smem:$0x3FBA];
	_ =	sdelay $0x3  }
0x37: {  	[smem:$0x3FBA] =	sst s10  }
0x38: {  	s10 =	sld [smem:$0x3FBB]  }
0x39: {  	_ = 	snop;
	(pc) =	sbr.ind lr, $3  }
0x3a: {  	_ = 	snop  }
0x3b: {  	_ = 	snop  }
0x3c: {  	p2 =	seq.s32 s10, $0x1;
	s10 =	sld [smem:$0x3FBA]  }
0x3d: {  	_ =	shalt  }
0x3e: {  	_ =	shalt  }
0x3f: {  	_ =	shalt  }
0x40: {  	_ =	shalt  }
0x41: {  	_ =	shalt  }
0x42: {  	_ =	shalt  }
0x43: {  	_ =	shalt  }
0x44: {  	_ =	shalt  }
0x45: {  	_ =	shalt  }
0x46: {  	_ =	shalt  }
0x47: {  	_ =	shalt  }
0x48: {  	_ =	shalt  }
0x49: {  	_ =	shalt  }
0x4a: {  	_ =	shalt  }
0x4b: {  	_ =	shalt  }
0x4c: {  	_ =	shalt  }
0x4d: {  	_ =	shalt  }
0x4e: {  	_ =	shalt  }
0x4f: {  	_ =	shalt  }
0x50: {  	_ =	shalt  }
0x51: {  	_ =	shalt  }
0x52: {  	_ =	shalt  }
0x53: {  	_ =	shalt  }
0x54: {  	_ =	shalt  }
0x55: {  	_ =	shalt  }
0x56: {  	_ =	shalt  }
0x57: {  	_ =	shalt  }
0x58: {  	_ =	shalt  }
0x59: {  	_ =	shalt  }
0x5a: {  	_ =	shalt  }
0x5b: {  	_ =	shalt  }
0x5c: {  	_ =	shalt  }
0x5d: {  	_ =	shalt  }
0x5e: {  	_ =	shalt  }
0x5f: {  	_ =	shalt  }
0x60: {  	_ =	shalt  }
0x61: {  	_ =	shalt  }
0x62: {  	_ =	shalt  }
0x63: {  	_ =	shalt  }
0x64: {  	_ =	shalt  }
0x65: {  	_ =	shalt  }
0x66: {  	_ =	shalt  }
0x67: {  	_ =	shalt  }
0x68: {  	_ =	shalt  }
0x69: {  	_ =	shalt  }
0x6a: {  	_ =	shalt  }
0x6b: {  	_ =	shalt  }
0x6c: {  	_ =	shalt  }
0x6d: {  	_ =	shalt  }
0x6e: {  	_ =	shalt  }
0x6f: {  	_ =	shalt  }
0x70: {  	_ =	shalt  }
0x71: {  	_ =	shalt  }
0x72: {  	_ =	shalt  }
0x73: {  	_ =	shalt  }
0x74: {  	_ =	shalt  }
0x75: {  	_ =	shalt  }
0x76: {  	_ =	shalt  }
0x77: {  	_ =	shalt  }
0x78: {  	_ =	shalt  }
0x79: {  	_ =	shalt  }
0x7a: {  	_ =	shalt  }
0x7b: {  	_ =	shalt  }
0x7c: {  	_ =	shalt  }
0x7d: {  	_ =	shalt  }
0x7e: {  	_ =	shalt  }
0x7f: {  	_ =	shalt  }
0x80: {  	_ =	shalt  }
0x81: {  	_ =	shalt  }
0x82: {  	_ =	shalt  }
0x83: {  	_ =	shalt  }
0x84: {  	_ =	shalt  }
0x85: {  	_ =	shalt  }
0x86: {  	_ =	shalt  }
0x87: {  	_ =	shalt  }
.Lfunc_end0:
.L_simem_size_0:
called_computation_lowered:
.L_overlay_start_0:
0x88: {  	s2 =	sld [smem:$0x3FD9]  }
0x89: {  	s3 =	sld [smem:$0x3FFE];
	_ =	sdelay $0x1  }
0x8a: {  	s1 =	srdreg.scid  }
0x8b: {  	s0 =	sand.u32 $0x1, s1  }
0x8c: {  	s17 =	sshll.u32 s0, $0xA;
	s2 =	sadd.s32 s3, s2  }
0x8d: {  	s2 =	sadd.s32 s2, s17  }
0x8e: {  	[smem:$0x3FC6] =	sst s2  }
0x8f: {  	_ = 	snop  }
0x90: {  	s2 =	sld [smem:$0x3FD0];
	(tm) =	ssettm $0x1  }
0x91: {  	s18 =	sld [smem:$0x3FFB];
	_ =	sdelay $0x3  }
0x92: {  	_ =	strace s18  }
0x93: {  	s3 =	sld [smem:$0x3FFC];
	_ =	sdelay $0x3  }
0x94: {  	_ =	strace s3  }
0x95: {  	s3 =	sld [smem:$0x3FFD];
	_ =	sdelay $0x3  }
0x96: {  	_ =	strace s3  }
0x97: {  	_ =	strace $0x8FFFFFFF  }
0x98: {  	s19 =	sld [smem:$0x3FDB];
	_ =	sdelay $0x1  }
0x99: {  	s4 =	simm.s32 $_scs_section_size  }
0x9a: {  	s5 =	simm.s32 $_size__tile_overlayer_lowered;
	s6 =	simm.s32 $_tile_overlayer_lowered  }
0x9b: {  	s22 =	simm.s32 $0x1BFF;
	s21 =	sshll.u32 s6, $0x1;
	s3 =	sadd.s32 s4, s19  }
0x9c: {  	s7 =	simm.s32 $0x0;
	s20 =	sshll.u32 s5, $0x1;
	s5 =	sadd.s32 s21, s3  }
0x9d: {  	[timem:s7], [sflag:s22] =	dma.local [hbm:s5], s20  }
0x9e: {  	_ =	swait.ge [sflag:s22], s20  }
0x9f: {  	s4 =	ssub.s32 $0x0, s20;
	[sflag:s22] =	ssyncset.done $0x0  }
0xa0: {  	[sflag:s22] =	ssyncadd.s32 s4;
	_ =	sdelay $0x1  }
0xa1: {  	s23 =	simm.s32 $0x1B8B  }
0xa2: {  	_ =	swait.ge [sflag:s23], $0x1  }
0xa3: {  	[sflag:s23] =	ssyncset.done $0x0  }
0xa4: {  	s25 =	simm.s32 $0x1B8E;
	s24 =	sld [smem:$0x3FFE];
	[sflag:s23] =	ssyncadd.s32 $0xFFFFFFFF  }
0xa5: {  	s26 =	simm.s32 $execute0_lowered;
	[smem:$0x3FD2] =	sst s25  }
0xa6: {  	s5 =	sshll.u32 s26, $0x1;
	_ =	strace $0x80000046;
	[dreg:$0x1] =	wrdreg $0xFFFFFFFF  }
0xa7: {  	s28 =	simm.s32 $_size_execute0_lowered;
	s3 =	sadd.s32 s3, s5;
	[dreg:$0x0] =	wrdreg $0x0  }
0xa8: {  	s5 =	sshll.u32 s28, $0x1;
	[dreg:$0x2] =	wrdreg s3  }
0xa9: {  	[dreg:$0x3] =	wrdreg s5  }
0xaa: {  	[dreg:$0x4] =	wrdreg $0xC0  }
0xab: {  	_ =	task [dreg:s7], $0x5FFFF  }
0xac: {  	[dreg:$0x1] =	wrdreg $0xFFFFFFFF  }
0xad: {  	[dreg:$0x0] =	wrdreg $0x60  }
0xae: {  	[dreg:$0x2] =	wrdreg s24  }
0xaf: {  	[dreg:$0x3] =	wrdreg s2  }
0xb0: {  	[dreg:$0x4] =	wrdreg $0x9  }
0xb1: {  	_ =	task.clear_ibuf [dreg:s7], $0x5FFFF;
	_ =	strace $0x90000046  }
0xb2: {  	s29 =	simm.s32 $0x9;
	_ =	strace $0x80000048  }
0xb3: {  	_ =	swait.ge [sflag:s29], $0x1  }
0xb4: {  	[sflag:s29] =	ssyncadd.s32 $0xFFFFFFFF  }
0xb5: {  	_ =	strace $0x90000048  }
0xb6: {  	_ =	sfence  }
0xb7: {  	s30 =	sld [smem:$0x0];
	_ =	sdelay $0x2  }
0xb8: {  	s31 =	sshll.u32 s1, $0xD;
	s1 =	sshrl.u32 s1, $0x2  }
0xb9: {  	s3 =	sand.u32 $0x4000, s31;
	s1 =	sadd.s32 s1, s30  }
0xba: {  	s0 =	sor.u32 s3, s0;
	s1 =	sshll.u32 s1, $0x11  }
0xbb: {  	s0 =	sor.u32 s1, s0  }
0xbc: {  	s0 =	sadd.s32 $0x8F2B, s0  }
0xbd: {  	[sflag:s0] =	ssyncadd.remote.s32 $0x1  }
0xbe: {  	_ =	sfence.sel $0xFFFF  }
0xbf: {  	[dreg:$0x0] =	wrdreg $0xFFFFFFFF;
	(pc) =	sbr.abs _section_cstart, $3  }
0xc0: {  	[dreg:$0x1] =	wrdreg $0xFFFFFFFF  }
0xc1: {  	_ =	task.clear_ibuf [dreg:s7], $0x2FFFF;
	_ =	strace $0x9FFFFFFF  }
0xc2: {  	(tm) =	ssettm $0x7FFFFFFF  }
0xc3: {  	_ =	shalt  }
tec
execute0_lowered:
.L_overlay_start_1:
0x0: {  	(tag) =	ssettag $0x1  }
0x1: {  	s4 =	rddreg [dreg:$0x0]  }
0x2: {  	s5 =	rddreg [dreg:$0x1]  }
0x3: {  	s0 =	rddreg [dreg:$0x2]  }
0x4: {  	s3 =	srdreg.scid;
	s1 =	stileid.u32  }
0x5: {  	s2 =	simm.s32 $0x0;
	s11 =	simm.s32 $0x6400;
	s12 =	simm.s32 $0xA400  }
0x6: {  	s13 =	simm.s32 $0x1;
	s14 =	simm.s32 $0xE400;
	s15 =	simm.s32 $0x2  }
0x7: {  	s16 =	simm.s32 $0x4;
	s3 =	sand.u32 $0x1, s3;
	s6 =	sshll.u32 s1, $0x1  }
0x8: {  	s17 =	simm.s32 $0x12400;
	s18 =	simm.s32 $0x3;
	s6 =	sor.u32 s3, s6  }
0x9: {  	s19 =	simm.s32 $0x0;
	[smem:$0x7FF] =	sst s2;
	s8 =	smul.u32 $0xC80, s6  }
.Ltmp0:
0xa: {  	_ =	strace $0x80000047;
	s7 =	ssub.s32 $0x2, s3;
	(pc) =	sbr.rel .LBB2_1-.Ltmp0, $4  }
0xb: {  	s3 =	sadd.s32 $0x400, s4;
	s9 =	sshrl.u32 s7, $0x1;
	s10 =	smul.u32 $0x64000, s6  }
0xc: {  	s4 =	sadd.s32 $0xF42800, s4;
	s6 =	smul.u32 $0x320000, s6;
	s7 =	ssub.s32 s7, s9  }
0xd: {  	s9 =	simm.s32 $0x5;
	s5 =	sadd.s32 s5, s8;
	s31 =	sadd.s32 s10, s4  }
0xe: {  	s7 =	smax.u32 s7, $0x1;
	s10 =	simm.s32 $0x80;
	s8 =	sadd.s32 $0x800, s31  }
.LBB2_12:
0xf: {  	s19 =	sadd.s32 $0x1, s19  }
0x10: {  	_ =	swait.ge [sflag:s18], $0x4000;
	p0 =	sne.s32 s19, s7  }
.Ltmp1:
0x11: {  	[sflag:s18] =	ssyncset.done $0x0;
	(pc) =	sbr.rel @!p0 .LBB2_13-.Ltmp1, $4  }
0x12: {  	[sflag:s18] =	ssyncadd.s32 $0xFFFFC000  }
0x13: {  	_ =	swait.ge [sflag:s16], $0x4000  }
0x14: {  	[sflag:s16] =	ssyncset.done $0x0  }
0x15: {  	[sflag:s16] =	ssyncadd.s32 $0xFFFFC000  }
.LBB2_1:
0x16: {  	[tilespmem:s2], [sflag:$0x5] =	stream.linear.gather [hbm4b:s5+s2], $0x6400, $0x38;
	[tilespmem:$0x16400] =	vst v63  }
0x17: {  	_ =	swait.ge [sflag:s9], $0x6400  }
0x18: {  	[sflag:s9] =	ssyncset.done $0x0  }
0x19: {  	[sflag:s9] =	ssyncadd.s32 $0xFFFF9C00  }
0x1a: {  	[tilespmem:s11], [sflag:$0x1] =	stream.indirect.gather [hbm4b:s3+s10], $0x80, s2, s10, $0xb8;
	[tilespmem:$0x16400] =	vst v63  }
0x1b: {  	s20 =	simm.s32 $0x0  }
0x1c: {  	[tilespmem:s12], [sflag:$0x2] =	stream.indirect.gather [hbm4b:s3+s10], $0x80, s10, s10, $0xb8;
	[tilespmem:$0x16400] =	vst v63  }
.LBB2_2:
0x1d: {  	_ =	swait.ge [sflag:s13], $0x4000  }
0x1e: {  	p0 =	seq.s32 s20, $0x0;
	[sflag:s13] =	ssyncset.done $0x0  }
0x1f: {  	s21 =	simm.s32 @!p0 $0x3;
	[sflag:s13] =	ssyncadd.s32 $0xFFFFC000  }
0x20: {  	_ =	swait.ge @!p0 [sflag:s21], $0x4000  }
0x21: {  	[sflag:s21] =	ssyncset.done @!p0 $0x0  }
0x22: {  	[sflag:s21] =	ssyncadd.s32 @!p0 $0xFFFFC000;
	s21 =	simm.s32 $0x0  }
0x23: {  	v0 =	vld [tilespmem:s21+$0x65B0]  }
0x24: {  	v1 =	vld [tilespmem:s21+$0x6400]  }
0x25: {  	v2 =	vld [tilespmem:s21+$0x6410]  }
0x26: {  	v3 =	vld [tilespmem:s21+$0x6420]  }
0x27: {  	v6 =	vld [tilespmem:s21+$0x6490]  }
0x28: {  	v4 =	vld [tilespmem:s21+$0x6430];
	v0 =	vmul.f32 $8.000000000e+00, v0  }
0x29: {  	v5 =	vld [tilespmem:s21+$0x6480];
	v1 =	vmul.f32 $8.000000000e+00, v1  }
0x2a: {  	v7 =	vld [tilespmem:s21+$0x64A0];
	[tilespmem:s21+$0xE5B0] =	vst v0;
	v0 =	vmul.f32 $8.000000000e+00, v2  }
0x2b: {  	v8 =	vld [tilespmem:s21+$0x64B0];
	[tilespmem:s21+$0xE400] =	vst v1;
	v1 =	vmul.f32 $8.000000000e+00, v3  }
0x2c: {  	v2 =	vmul.f32 $8.000000000e+00, v6;
	[tilespmem:s21+$0xE410] =	vst v0  }
0x2d: {  	v9 =	vld [tilespmem:s21+$0x6500];
	v0 =	vmul.f32 $8.000000000e+00, v4;
	[tilespmem:s21+$0xE420] =	vst v1  }
0x2e: {  	v4 =	vld [tilespmem:s21+$0x6510];
	v1 =	vmul.f32 $8.000000000e+00, v5;
	[tilespmem:s21+$0xE490] =	vst v2  }
0x2f: {  	v3 =	vmul.f32 $8.000000000e+00, v7;
	[tilespmem:s21+$0xE430] =	vst v0;
	v0 =	vld [tilespmem:s21+$0x6520]  }
0x30: {  	v5 =	vmul.f32 $8.000000000e+00, v8;
	[tilespmem:s21+$0xE480] =	vst v1;
	v1 =	vld [tilespmem:s21+$0x6530]  }
0x31: {  	v2 =	vld [tilespmem:s21+$0x6580];
	[tilespmem:s21+$0xE4A0] =	vst v3  }
0x32: {  	v3 =	vld [tilespmem:s21+$0x6590];
	[tilespmem:s21+$0xE4B0] =	vst v5;
	v5 =	vmul.f32 $8.000000000e+00, v9  }
0x33: {  	s22 =	simm.s32 $0x200;
	s23 =	simm.s32 $0x1000;
	v6 =	vmul.f32 $8.000000000e+00, v4;
	v4 =	vld [tilespmem:s21+$0x65A0]  }
.LBB2_3:
0x34: {  	p1 =	sne.s32 s23, $0xF800;
	v7 =	vld [tilespmem:s22+$0x65B0];
	[tilespmem:s21+$0xE500] =	vst v5;
	v0 =	vmul.f32 $8.000000000e+00, v0  }
0x35: {  	v5 =	vld [tilespmem:s22+$0x6400];
	[tilespmem:s21+$0xE510] =	vst v6;
	v1 =	vmul.f32 $8.000000000e+00, v1  }
0x36: {  	v6 =	vld [tilespmem:s22+$0x6410];
	[tilespmem:s21+$0xE520] =	vst v0;
	v0 =	vmul.f32 $8.000000000e+00, v2  }
0x37: {  	v2 =	vld [tilespmem:s22+$0x6420];
	[tilespmem:s21+$0xE530] =	vst v1;
	v1 =	vmul.f32 $8.000000000e+00, v3  }
0x38: {  	v3 =	vld [tilespmem:s22+$0x6430];
	[tilespmem:s21+$0xE580] =	vst v0;
	v0 =	vmul.f32 $8.000000000e+00, v4  }
0x39: {  	v4 =	vld [tilespmem:s22+$0x6480];
	v7 =	vmul.f32 $8.000000000e+00, v7;
	[tilespmem:s21+$0xE590] =	vst v1  }
0x3a: {  	v1 =	vmul.f32 $8.000000000e+00, v5;
	v5 =	vld [tilespmem:s22+$0x6490];
	[tilespmem:s21+$0xE5A0] =	vst v0;
	s21 =	smov.u32 s22  }
0x3b: {  	v0 =	vmul.f32 $8.000000000e+00, v6;
	v6 =	vld [tilespmem:s21+$0x64A0];
	[tilespmem:s21+$0xE5B0] =	vst v7  }
0x3c: {  	[tilespmem:s21+$0xE400] =	vst v1;
	v1 =	vmul.f32 $8.000000000e+00, v2;
	v2 =	vld [tilespmem:s21+$0x64B0]  }
0x3d: {  	[tilespmem:s21+$0xE410] =	vst v0;
	v0 =	vmul.f32 $8.000000000e+00, v3;
	v3 =	vld [tilespmem:s21+$0x6500]  }
0x3e: {  	[tilespmem:s21+$0xE420] =	vst v1;
	v1 =	vmul.f32 $8.000000000e+00, v4;
	v4 =	vld [tilespmem:s21+$0x6510]  }
.Ltmp2:
0x3f: {  	[tilespmem:s21+$0xE430] =	vst v0;
	v5 =	vmul.f32 $8.000000000e+00, v5;
	v0 =	vld [tilespmem:s21+$0x6520];
	(pc) =	sbr.rel @p1 .LBB2_3-.Ltmp2, $4  }
0x40: {  	[tilespmem:s21+$0xE480] =	vst v1;
	v6 =	vmul.f32 $8.000000000e+00, v6;
	v1 =	vld [tilespmem:s21+$0x6530]  }
0x41: {  	[tilespmem:s21+$0xE490] =	vst v5;
	v7 =	vmul.f32 $8.000000000e+00, v2;
	v2 =	vld [tilespmem:s21+$0x6580]  }
0x42: {  	[tilespmem:s21+$0xE4A0] =	vst v6;
	v5 =	vmul.f32 $8.000000000e+00, v3;
	v3 =	vld [tilespmem:s21+$0x6590]  }
0x43: {  	s22 =	sshra.s32 s23, $0x2;
	s23 =	sadd.s32 $0x800, s23;
	[tilespmem:s21+$0xE4B0] =	vst v7;
	v6 =	vmul.f32 $8.000000000e+00, v4;
	v4 =	vld [tilespmem:s21+$0x65A0]  }
0x44: {  	v7 =	vld [tilespmem:s22+$0x65B0];
	[tilespmem:s21+$0xE500] =	vst v5;
	v0 =	vmul.f32 $8.000000000e+00, v0  }
0x45: {  	v5 =	vld [tilespmem:s22+$0x6400];
	[tilespmem:s21+$0xE510] =	vst v6;
	v1 =	vmul.f32 $8.000000000e+00, v1  }
0x46: {  	v6 =	vld [tilespmem:s22+$0x6410];
	[tilespmem:s21+$0xE520] =	vst v0;
	v2 =	vmul.f32 $8.000000000e+00, v2  }
0x47: {  	v0 =	vld [tilespmem:s22+$0x6420];
	[tilespmem:s21+$0xE530] =	vst v1;
	v3 =	vmul.f32 $8.000000000e+00, v3  }
0x48: {  	v1 =	vld [tilespmem:s22+$0x6430];
	[tilespmem:s21+$0xE580] =	vst v2;
	v4 =	vmul.f32 $8.000000000e+00, v4  }
0x49: {  	v2 =	vld [tilespmem:s22+$0x6480];
	[tilespmem:s21+$0xE590] =	vst v3;
	v7 =	vmul.f32 $8.000000000e+00, v7  }
0x4a: {  	v3 =	vld [tilespmem:s22+$0x6490];
	[tilespmem:s21+$0xE5A0] =	vst v4;
	v50 =	vmul.f32 $8.000000000e+00, v5  }
0x4b: {  	v51 =	vld [tilespmem:s22+$0x64A0];
	[tilespmem:s22+$0xE5B0] =	vst v7;
	v6 =	vmul.f32 $8.000000000e+00, v6  }
0x4c: {  	v52 =	vld [tilespmem:s22+$0x64B0];
	[tilespmem:s22+$0xE400] =	vst v50;
	v0 =	vmul.f32 $8.000000000e+00, v0  }
0x4d: {  	v53 =	vld [tilespmem:s22+$0x6500];
	[tilespmem:s22+$0xE410] =	vst v6;
	v1 =	vmul.f32 $8.000000000e+00, v1  }
0x4e: {  	v54 =	vld [tilespmem:s22+$0x6510];
	[tilespmem:s22+$0xE420] =	vst v0;
	v2 =	vmul.f32 $8.000000000e+00, v2  }
0x4f: {  	v55 =	vld [tilespmem:s22+$0x6520];
	[tilespmem:s22+$0xE430] =	vst v1;
	v3 =	vmul.f32 $8.000000000e+00, v3  }
0x50: {  	v56 =	vld [tilespmem:s22+$0x6530];
	[tilespmem:s22+$0xE480] =	vst v2;
	v5 =	vmul.f32 $8.000000000e+00, v51  }
0x51: {  	v57 =	vld [tilespmem:s22+$0x6580];
	v4 =	vmul.f32 $8.000000000e+00, v52;
	[tilespmem:s22+$0xE490] =	vst v3  }
0x52: {  	v58 =	vld [tilespmem:s22+$0x6590];
	v6 =	vmul.f32 $8.000000000e+00, v53;
	[tilespmem:s22+$0xE4A0] =	vst v5  }
0x53: {  	v59 =	vld [tilespmem:s22+$0x65A0];
	v0 =	vmul.f32 $8.000000000e+00, v54;
	[tilespmem:s22+$0xE4B0] =	vst v4  }
0x54: {  	v1 =	vmul.f32 $8.000000000e+00, v55;
	[tilespmem:s22+$0xE500] =	vst v6  }
0x55: {  	v60 =	vmul.f32 $8.000000000e+00, v56;
	[tilespmem:s22+$0xE510] =	vst v0  }
0x56: {  	p1 =	sne.s32 s20, $0x63;
	v61 =	vmul.f32 $8.000000000e+00, v57;
	[tilespmem:s22+$0xE520] =	vst v1  }
.Ltmp3:
0x57: {  	s31 =	sshll.u32 s20, $0xF;
	v62 =	vmul.f32 $8.000000000e+00, v58;
	[tilespmem:s22+$0xE530] =	vst v60;
	(pc) =	sbr.rel @p1 .LBB2_6-.Ltmp3, $4  }
0x58: {  	s21 =	sadd.s32 s6, s31;
	v63 =	vmul.f32 $8.000000000e+00, v59;
	[tilespmem:s22+$0xE580] =	vst v61  }
0x59: {  	s21 =	sshrl.u32 s21, $0x3;
	[tilespmem:s22+$0xE590] =	vst v62  }
0x5a: {  	s21 =	sadd.s32 s4, s21;
	[tilespmem:s22+$0xE5A0] =	vst v63  }
0x5b: {  	[hbm4b:s21+s2] =	stream.linear.scatter [tilespmem:s14], [sflag:$0x3], $0x4000, $0x38;
	[tilespmem:$0x16400] =	vst v63  }
.Ltmp4:
0x5c: {  	(pc) =	sbr.rel .LBB2_7-.Ltmp4, $4  }
0x5d: {  	_ = 	snop  }
0x5e: {  	_ =	swait.ge [sflag:s15], $0x4000  }
0x5f: {  	[sflag:s15] =	ssyncset.done $0x0  }
0x60: {  	[sflag:s15] =	ssyncadd.s32 $0xFFFFC000  }
.LBB2_6:
0x61: {  	s21 =	sshll.u32 s20, $0x8  }
0x62: {  	s21 =	sand.u32 $0x3FFFFF00, s21  }
.Ltmp5:
0x63: {  	s21 =	sadd.s32 $0x100, s21;
	(pc) =	sbr.rel @p0 .LBB2_8-.Ltmp5, $4  }
0x64: {  	[tilespmem:s11], [sflag:$0x1] =	stream.indirect.gather [hbm4b:s3+s10], $0x80, s21, s10, $0xb8;
	[tilespmem:$0x16400] =	vst v63  }
0x65: {  	_ =	swait.ge [sflag:s15], $0x4000  }
0x66: {  	[sflag:s15] =	ssyncset.done $0x0  }
0x67: {  	[sflag:s15] =	ssyncadd.s32 $0xFFFFC000  }
.LBB2_7:
0x68: {  	_ =	swait.ge [sflag:s16], $0x4000  }
0x69: {  	[sflag:s16] =	ssyncset.done $0x0  }
0x6a: {  	[sflag:s16] =	ssyncadd.s32 $0xFFFFC000  }
.LBB2_8:
0x6b: {  	s21 =	simm.s32 $0x0  }
0x6c: {  	v0 =	vld [tilespmem:s21+$0xA5B0]  }
0x6d: {  	v1 =	vld [tilespmem:s21+$0xA400]  }
0x6e: {  	v2 =	vld [tilespmem:s21+$0xA410]  }
0x6f: {  	v3 =	vld [tilespmem:s21+$0xA420]  }
0x70: {  	v6 =	vld [tilespmem:s21+$0xA490]  }
0x71: {  	v4 =	vld [tilespmem:s21+$0xA430];
	v0 =	vmul.f32 $8.000000000e+00, v0  }
0x72: {  	v5 =	vld [tilespmem:s21+$0xA480];
	v1 =	vmul.f32 $8.000000000e+00, v1  }
0x73: {  	v7 =	vld [tilespmem:s21+$0xA4A0];
	[tilespmem:s21+$0x125B0] =	vst v0;
	v0 =	vmul.f32 $8.000000000e+00, v2  }
0x74: {  	v8 =	vld [tilespmem:s21+$0xA4B0];
	[tilespmem:s21+$0x12400] =	vst v1;
	v1 =	vmul.f32 $8.000000000e+00, v3  }
0x75: {  	v2 =	vmul.f32 $8.000000000e+00, v6;
	[tilespmem:s21+$0x12410] =	vst v0  }
0x76: {  	v9 =	vld [tilespmem:s21+$0xA500];
	v0 =	vmul.f32 $8.000000000e+00, v4;
	[tilespmem:s21+$0x12420] =	vst v1  }
0x77: {  	v4 =	vld [tilespmem:s21+$0xA510];
	v1 =	vmul.f32 $8.000000000e+00, v5;
	[tilespmem:s21+$0x12490] =	vst v2  }
0x78: {  	v3 =	vmul.f32 $8.000000000e+00, v7;
	[tilespmem:s21+$0x12430] =	vst v0;
	v0 =	vld [tilespmem:s21+$0xA520]  }
0x79: {  	v5 =	vmul.f32 $8.000000000e+00, v8;
	[tilespmem:s21+$0x12480] =	vst v1;
	v1 =	vld [tilespmem:s21+$0xA530]  }
0x7a: {  	v2 =	vld [tilespmem:s21+$0xA580];
	[tilespmem:s21+$0x124A0] =	vst v3  }
0x7b: {  	v3 =	vld [tilespmem:s21+$0xA590];
	[tilespmem:s21+$0x124B0] =	vst v5;
	v5 =	vmul.f32 $8.000000000e+00, v9  }
0x7c: {  	s22 =	simm.s32 $0x200;
	s23 =	simm.s32 $0x1000;
	v6 =	vmul.f32 $8.000000000e+00, v4;
	v4 =	vld [tilespmem:s21+$0xA5A0]  }
.LBB2_9:
0x7d: {  	p0 =	sne.s32 s23, $0xF800;
	v7 =	vld [tilespmem:s22+$0xA5B0];
	[tilespmem:s21+$0x12500] =	vst v5;
	v0 =	vmul.f32 $8.000000000e+00, v0  }
0x7e: {  	v5 =	vld [tilespmem:s22+$0xA400];
	[tilespmem:s21+$0x12510] =	vst v6;
	v1 =	vmul.f32 $8.000000000e+00, v1  }
0x7f: {  	v6 =	vld [tilespmem:s22+$0xA410];
	[tilespmem:s21+$0x12520] =	vst v0;
	v0 =	vmul.f32 $8.000000000e+00, v2  }
0x80: {  	v2 =	vld [tilespmem:s22+$0xA420];
	[tilespmem:s21+$0x12530] =	vst v1;
	v1 =	vmul.f32 $8.000000000e+00, v3  }
0x81: {  	v3 =	vld [tilespmem:s22+$0xA430];
	[tilespmem:s21+$0x12580] =	vst v0;
	v0 =	vmul.f32 $8.000000000e+00, v4  }
0x82: {  	v4 =	vld [tilespmem:s22+$0xA480];
	v7 =	vmul.f32 $8.000000000e+00, v7;
	[tilespmem:s21+$0x12590] =	vst v1  }
0x83: {  	v1 =	vmul.f32 $8.000000000e+00, v5;
	v5 =	vld [tilespmem:s22+$0xA490];
	[tilespmem:s21+$0x125A0] =	vst v0;
	s21 =	smov.u32 s22  }
0x84: {  	v0 =	vmul.f32 $8.000000000e+00, v6;
	v6 =	vld [tilespmem:s21+$0xA4A0];
	[tilespmem:s21+$0x125B0] =	vst v7  }
0x85: {  	[tilespmem:s21+$0x12400] =	vst v1;
	v1 =	vmul.f32 $8.000000000e+00, v2;
	v2 =	vld [tilespmem:s21+$0xA4B0]  }
0x86: {  	[tilespmem:s21+$0x12410] =	vst v0;
	v0 =	vmul.f32 $8.000000000e+00, v3;
	v3 =	vld [tilespmem:s21+$0xA500]  }
0x87: {  	[tilespmem:s21+$0x12420] =	vst v1;
	v1 =	vmul.f32 $8.000000000e+00, v4;
	v4 =	vld [tilespmem:s21+$0xA510]  }
.Ltmp6:
0x88: {  	[tilespmem:s21+$0x12430] =	vst v0;
	v5 =	vmul.f32 $8.000000000e+00, v5;
	v0 =	vld [tilespmem:s21+$0xA520];
	(pc) =	sbr.rel @p0 .LBB2_9-.Ltmp6, $4  }
0x89: {  	[tilespmem:s21+$0x12480] =	vst v1;
	v6 =	vmul.f32 $8.000000000e+00, v6;
	v1 =	vld [tilespmem:s21+$0xA530]  }
0x8a: {  	[tilespmem:s21+$0x12490] =	vst v5;
	v7 =	vmul.f32 $8.000000000e+00, v2;
	v2 =	vld [tilespmem:s21+$0xA580]  }
0x8b: {  	[tilespmem:s21+$0x124A0] =	vst v6;
	v5 =	vmul.f32 $8.000000000e+00, v3;
	v3 =	vld [tilespmem:s21+$0xA590]  }
0x8c: {  	s22 =	sshra.s32 s23, $0x2;
	s23 =	sadd.s32 $0x800, s23;
	[tilespmem:s21+$0x124B0] =	vst v7;
	v6 =	vmul.f32 $8.000000000e+00, v4;
	v4 =	vld [tilespmem:s21+$0xA5A0]  }
0x8d: {  	v7 =	vld [tilespmem:s22+$0xA5B0];
	[tilespmem:s21+$0x12500] =	vst v5;
	v0 =	vmul.f32 $8.000000000e+00, v0  }
0x8e: {  	v5 =	vld [tilespmem:s22+$0xA400];
	[tilespmem:s21+$0x12510] =	vst v6;
	v1 =	vmul.f32 $8.000000000e+00, v1  }
0x8f: {  	v6 =	vld [tilespmem:s22+$0xA410];
	[tilespmem:s21+$0x12520] =	vst v0;
	v2 =	vmul.f32 $8.000000000e+00, v2  }
0x90: {  	v0 =	vld [tilespmem:s22+$0xA420];
	[tilespmem:s21+$0x12530] =	vst v1;
	v3 =	vmul.f32 $8.000000000e+00, v3  }
0x91: {  	v1 =	vld [tilespmem:s22+$0xA430];
	[tilespmem:s21+$0x12580] =	vst v2;
	v4 =	vmul.f32 $8.000000000e+00, v4  }
0x92: {  	v2 =	vld [tilespmem:s22+$0xA480];
	[tilespmem:s21+$0x12590] =	vst v3;
	v7 =	vmul.f32 $8.000000000e+00, v7  }
0x93: {  	v3 =	vld [tilespmem:s22+$0xA490];
	[tilespmem:s21+$0x125A0] =	vst v4;
	v50 =	vmul.f32 $8.000000000e+00, v5  }
0x94: {  	v51 =	vld [tilespmem:s22+$0xA4A0];
	[tilespmem:s22+$0x125B0] =	vst v7;
	v6 =	vmul.f32 $8.000000000e+00, v6  }
0x95: {  	v52 =	vld [tilespmem:s22+$0xA4B0];
	[tilespmem:s22+$0x12400] =	vst v50;
	v0 =	vmul.f32 $8.000000000e+00, v0  }
0x96: {  	v53 =	vld [tilespmem:s22+$0xA500];
	[tilespmem:s22+$0x12410] =	vst v6;
	v1 =	vmul.f32 $8.000000000e+00, v1  }
0x97: {  	v54 =	vld [tilespmem:s22+$0xA510];
	[tilespmem:s22+$0x12420] =	vst v0;
	v2 =	vmul.f32 $8.000000000e+00, v2  }
0x98: {  	v55 =	vld [tilespmem:s22+$0xA520];
	[tilespmem:s22+$0x12430] =	vst v1;
	v3 =	vmul.f32 $8.000000000e+00, v3  }
0x99: {  	v56 =	vld [tilespmem:s22+$0xA530];
	[tilespmem:s22+$0x12480] =	vst v2;
	v5 =	vmul.f32 $8.000000000e+00, v51  }
0x9a: {  	v57 =	vld [tilespmem:s22+$0xA580];
	v4 =	vmul.f32 $8.000000000e+00, v52;
	[tilespmem:s22+$0x12490] =	vst v3  }
0x9b: {  	v58 =	vld [tilespmem:s22+$0xA590];
	v6 =	vmul.f32 $8.000000000e+00, v53;
	[tilespmem:s22+$0x124A0] =	vst v5  }
0x9c: {  	v59 =	vld [tilespmem:s22+$0xA5A0];
	v0 =	vmul.f32 $8.000000000e+00, v54;
	[tilespmem:s22+$0x124B0] =	vst v4  }
0x9d: {  	v1 =	vmul.f32 $8.000000000e+00, v55;
	[tilespmem:s22+$0x12500] =	vst v6  }
0x9e: {  	v60 =	vmul.f32 $8.000000000e+00, v56;
	[tilespmem:s22+$0x12510] =	vst v0  }
0x9f: {  	p0 =	seq.s32 s20, $0x63;
	v61 =	vmul.f32 $8.000000000e+00, v57;
	[tilespmem:s22+$0x12520] =	vst v1  }
.Ltmp7:
0xa0: {  	v62 =	vmul.f32 $8.000000000e+00, v58;
	[tilespmem:s22+$0x12530] =	vst v60;
	(pc) =	sbr.rel @p0 .LBB2_12-.Ltmp7, $4  }
0xa1: {  	v63 =	vmul.f32 $8.000000000e+00, v59;
	[tilespmem:s22+$0x12580] =	vst v61  }
0xa2: {  	s31 =	sshll.u32 s20, $0xC;
	[tilespmem:s22+$0x12590] =	vst v62  }
0xa3: {  	s21 =	sadd.s32 s8, s31;
	[tilespmem:s22+$0x125A0] =	vst v63  }
0xa4: {  	[hbm4b:s21+s2] =	stream.linear.scatter [tilespmem:s17], [sflag:$0x4], $0x4000, $0x38;
	[tilespmem:$0x16400] =	vst v63  }
.Ltmp8:
0xa5: {  	(pc) =	sbr.rel .LBB2_2-.Ltmp8, $4  }
0xa6: {  	s21 =	sshll.u32 s20, $0x8  }
0xa7: {  	s21 =	sand.u32 $0x3FFFFF00, s21  }
0xa8: {  	s20 =	sadd.s32 $0x1, s20;
	s21 =	sadd.s32 $0x180, s21  }
0xa9: {  	[tilespmem:s12], [sflag:$0x2] =	stream.indirect.gather [hbm4b:s3+s10], $0x80, s21, s10, $0xb8;
	[tilespmem:$0x16400] =	vst v63  }
.LBB2_13:
0xaa: {  	_ =	sfence.sel $0x180000  }
0xab: {  	[bflag:$0x0] =	sbarrier.arrive $0xFFFF  }
0xac: {  	p0 =	sne.s32 s1, $0x0;
	_ =	strace $0x90000047  }
0xad: {  	s0 =	sadd.s32 @!p0 $0x100000, s0;
	[bflag:$0x2] =	sbarrier.arrive $0xFFFF  }
0xae: {  	[sflag:s0] =	ssyncadd.tile.s32 @!p0 $0x1;
	_ =	shalt  }
.Lfunc_end2:
_tile_overlayer_lowered:
.L_overlay_start_2:
0xaf: {  	(tag) =	ssettag $0x2  }
0xb0: {  	s0 =	rddreg [dreg:$0x0];
	s2 =	stileid.u32  }
0xb1: {  	s1 =	rddreg [dreg:$0x1];
	p0 =	sne.s32 s2, $0x0  }
0xb2: {  	s3 =	rddreg [dreg:$0x2];
	[bflag:$0x3] =	sbarrier.arrive $0xFFFF;
	s2 =	simm.s32 @!p0 $0x1C05  }
0xb3: {  	[timem:s3], [sflag:s2] =	dma.local @!p0 [hbm:s0], s1  }
0xb4: {  	s0 =	simm.s32 @!p0 $0x5  }
0xb5: {  	_ =	swait.ge @!p0 [sflag:s0], s1  }
0xb6: {  	s1 =	ssub.s32 @!p0 $0x0, s1;
	[sflag:s0] =	ssyncset.done @!p0 $0x0  }
0xb7: {  	[sflag:s0] =	ssyncadd.s32 @!p0 s1  }
0xb8: {  	[bflag:$0x3] =	sbarrier.arrive $0xFFFF  }
0xb9: {  	_ =	shalt  }

</sc_bundles>
